<compile_context>
chip_gen: v7x
topology: tpu7x:2x2x1
jax: 0.10.2.dev20260603
libtpu: 0.0.44.dev20260713+nightly
codegen_flags: <defaults>
</compile_context>

<pallas_src>
import functools

import jax
import jax.numpy as jnp
from jax import lax
from jax.experimental import pallas as pl
from jax.experimental.pallas import tpu as pltpu
from jax.experimental.pallas import tpu_sc as plsc

T = 1000
B = 16384

_info = plsc.get_sparse_core_info()
NC, NS, L = _info.num_cores, _info.num_subcores, _info.num_lanes
NC = 1
NW = NC * NS
BPW = B // NW


@functools.partial(
    pl.kernel,
    mesh=plsc.VectorSubcoreMesh(core_axis_name="c", subcore_axis_name="s",
                                num_cores=NC),
    compiler_params=pltpu.CompilerParams(needs_layout_passes=False),
    out_type=(
        jax.ShapeDtypeStruct((B,), jnp.float32),
        jax.ShapeDtypeStruct((B,), jnp.float32),
        jax.ShapeDtypeStruct((B,), jnp.float32),
    ),
    scratch_types=[
        pltpu.VMEM((3 * T,), jnp.float32),
        pltpu.VMEM((BPW,), jnp.int32),
        pltpu.VMEM((BPW,), jnp.float32),
        pltpu.VMEM((BPW,), jnp.float32),
        pltpu.VMEM((BPW,), jnp.float32),
        pltpu.SemaphoreType.DMA,
        pltpu.SemaphoreType.DMA,
    ],
)
def _gather3(tbl_hbm, idx_hbm, oa_hbm, oab_hbm, oabp_hbm,
             tbl, idxv, oa, oab, oabp, sem_in, sem_out):
    wid = lax.axis_index("s") * NC + lax.axis_index("c")
    base = wid * BPW
    cp_tbl = pltpu.async_copy(tbl_hbm, tbl, sem_in)
    cp_idx = pltpu.async_copy(idx_hbm.at[pl.ds(base, BPW)], idxv, sem_in)
    cp_idx.wait()
    cp_tbl.wait()
    BLK = 4
    for blk in range(0, BPW // L, BLK):
        ixs = [idxv[pl.ds((blk + k) * L, L)] for k in range(BLK)]
        vals = [(plsc.load_gather(tbl, [ix]),
                 plsc.load_gather(tbl, [ix + T]),
                 plsc.load_gather(tbl, [ix + 2 * T])) for ix in ixs]
        for k, (va, vb, vc) in enumerate(vals):
            sl = pl.ds((blk + k) * L, L)
            oa[sl] = va
            oab[sl] = vb
            oabp[sl] = vc
    cp_a = pltpu.async_copy(oa, oa_hbm.at[pl.ds(base, BPW)], sem_out)
    cp_b = pltpu.async_copy(oab, oab_hbm.at[pl.ds(base, BPW)], sem_out)
    cp_c = pltpu.async_copy(oabp, oabp_hbm.at[pl.ds(base, BPW)], sem_out)
    cp_a.wait()
    cp_b.wait()
    cp_c.wait()


def kernel(alphas, alpha_bars, alpha_bars_prev, diffusion_steps):
    tbl = jnp.concatenate([alphas, alpha_bars, alpha_bars_prev])
    oa, oab, oabp = _gather3(tbl, diffusion_steps)
    shape = (B, 1, 1, 1)
    return oa.reshape(shape), oab.reshape(shape), oabp.reshape(shape)

# --- scband reference (transcript-rebuilt; emitter-appended) ---
"""Pipeline reference for scband-noise-schedule-4509715661283 (READ-ONLY COPY).

The authoritative reference and input builder live on the scoring server;
editing this copy changes nothing except your own understanding.
"""

import jax, jax.numpy as jnp
import numpy as np

T = 1000
B = 16384

def setup_inputs(seed: int = 0) -> dict:
    key = jax.random.key(seed)
    k1, k2, k3, k4 = jax.random.split(key, 4)
    alphas = jax.random.uniform(k1, (T,), dtype=jnp.float32)
    alpha_bars = jax.random.uniform(k2, (T,), dtype=jnp.float32)
    alpha_bars_prev = jax.random.uniform(k3, (T,), dtype=jnp.float32)
    diffusion_steps = jax.random.randint(k4, (B,), 0, T, dtype=jnp.int32)
    return {
        "alphas": alphas,
        "alpha_bars": alpha_bars,
        "alpha_bars_prev": alpha_bars_prev,
        "diffusion_steps": diffusion_steps,
    }

def reference(alphas, alpha_bars, alpha_bars_prev, diffusion_steps):
    # get_alphas: self.alphas[diffusion_steps].view(-1, 1, 1, 1)
    a = jnp.take(alphas, diffusion_steps, axis=0).reshape(-1, 1, 1, 1)
    # get_alpha_bars
    ab = jnp.take(alpha_bars, diffusion_steps, axis=0).reshape(-1, 1, 1, 1)
    # get_alpha_bars_prev
    abp = jnp.take(alpha_bars_prev, diffusion_steps, axis=0).reshape(-1, 1, 1, 1)
    return (a, ab, abp)

if __name__ == "__main__":
    import jax
    _d = setup_inputs()
    print(jax.jit(kernel)(*tuple(_d.values())))

</pallas_src>

<mosaic_0001>
#map = affine_map<(d0, d1) -> (0)>
module attributes {stable_mosaic.version = 14 : i64} {
  func.func @_gather3(%arg0: i32, %arg1: i32, %arg2: memref<3000xf32, #tpu.memory_space<hbm>>, %arg3: memref<16384xi32, #tpu.memory_space<hbm>>, %arg4: memref<16384xf32, #tpu.memory_space<hbm>>, %arg5: memref<16384xf32, #tpu.memory_space<hbm>>, %arg6: memref<16384xf32, #tpu.memory_space<hbm>>, %arg7: memref<3000xf32, #tpu.memory_space<vmem>>, %arg8: memref<1024xi32, #tpu.memory_space<vmem>>, %arg9: memref<1024xf32, #tpu.memory_space<vmem>>, %arg10: memref<1024xf32, #tpu.memory_space<vmem>>, %arg11: memref<1024xf32, #tpu.memory_space<vmem>>, %arg12: memref<!tpu.dma_semaphore, #tpu.memory_space<semaphore_mem>>, %arg13: memref<!tpu.dma_semaphore, #tpu.memory_space<semaphore_mem>>) attributes {dimension_semantics = [#tpu.dimension_semantics<core_parallel>, #tpu.dimension_semantics<subcore_parallel>], iteration_bounds = array<i64: 1, 16>, scalar_prefetch = 0 : i64, scratch_operands = 7 : i64, tpu.core_type = #tpu.core_type<sc_vector_subcore>, window_params = [{transform_indices = #map}, {transform_indices = #map}, {transform_indices = #map}, {transform_indices = #map}, {transform_indices = #map}]} {
    %mul3A = arith.constant 1 : i32
    %mul3A_0 = arith.muli %arg1, %mul3A : i32
    %add3A = arith.addi %mul3A_0, %arg0 : i32
    %mul3A_1 = arith.constant 1024 : i32
    %mul3A_2 = arith.muli %add3A, %mul3A_1 : i32
    tpu.enqueue_dma source(%arg2 : memref<3000xf32, #tpu.memory_space<hbm>>) target(%arg7 : memref<3000xf32, #tpu.memory_space<vmem>>) target_semaphore(%arg12 : memref<!tpu.dma_semaphore, #tpu.memory_space<semaphore_mem>>)
    %dma_start3A = tpu.memref_slice %arg3[%mul3A_2] : memref<16384xi32, #tpu.memory_space<hbm>> -> memref<1024xi32, #tpu.memory_space<hbm>>
    %dma_start3A_3 = tpu.memref_slice %arg3[%mul3A_2] : memref<16384xi32, #tpu.memory_space<hbm>> -> memref<1024xi32, #tpu.memory_space<hbm>>
    tpu.enqueue_dma source(%dma_start3A_3 : memref<1024xi32, #tpu.memory_space<hbm>>) target(%arg8 : memref<1024xi32, #tpu.memory_space<vmem>>) target_semaphore(%arg12 : memref<!tpu.dma_semaphore, #tpu.memory_space<semaphore_mem>>)
    %dma_wait3A = tpu.memref_slice %arg3[%mul3A_2] : memref<16384xi32, #tpu.memory_space<hbm>> -> memref<1024xi32, #tpu.memory_space<hbm>>
    %dma_wait3A_4 = tpu.memref_slice %arg3[%mul3A_2] : memref<16384xi32, #tpu.memory_space<hbm>> -> memref<1024xi32, #tpu.memory_space<hbm>>
    tpu.wait_dma2 semaphore(%arg12 : memref<!tpu.dma_semaphore, #tpu.memory_space<semaphore_mem>>) src(%dma_wait3A_4 : memref<1024xi32, #tpu.memory_space<hbm>>) dst(%arg8 : memref<1024xi32, #tpu.memory_space<vmem>>)
    tpu.wait_dma2 semaphore(%arg12 : memref<!tpu.dma_semaphore, #tpu.memory_space<semaphore_mem>>) src(%arg2 : memref<3000xf32, #tpu.memory_space<hbm>>) dst(%arg7 : memref<3000xf32, #tpu.memory_space<vmem>>)
    %get3A = arith.constant 0 : index
    %get3A_5 = tpu.vector_load %arg8[%get3A] {strides = array<i32>} : memref<1024xi32, #tpu.memory_space<vmem>>, vector<16xi32>,
    %get3A_6 = arith.constant 16 : index
    %get3A_7 = tpu.vector_load %arg8[%get3A_6] {strides = array<i32>} : memref<1024xi32, #tpu.memory_space<vmem>>, vector<16xi32>,
    %get3A_8 = arith.constant 32 : index
    %get3A_9 = tpu.vector_load %arg8[%get3A_8] {strides = array<i32>} : memref<1024xi32, #tpu.memory_space<vmem>>, vector<16xi32>,
    %get3A_10 = arith.constant 48 : index
    %get3A_11 = tpu.vector_load %arg8[%get3A_10] {strides = array<i32>} : memref<1024xi32, #tpu.memory_space<vmem>>, vector<16xi32>,
    %gather3A = tpu.vector_load_idx %arg7[%get3A_5] : memref<3000xf32, #tpu.memory_space<vmem>>[vector<16xi32>], vector<16xf32>,
    %add3A_12 = arith.constant 1000 : i32
    %add3A_13 = vector.broadcast %add3A_12 : i32 to vector<16xi32>
    %add3A_14 = arith.addi %get3A_5, %add3A_13 : vector<16xi32>
    %gather3A_15 = tpu.vector_load_idx %arg7[%add3A_14] : memref<3000xf32, #tpu.memory_space<vmem>>[vector<16xi32>], vector<16xf32>,
    %add3A_16 = arith.constant 2000 : i32
    %add3A_17 = vector.broadcast %add3A_16 : i32 to vector<16xi32>
    %add3A_18 = arith.addi %get3A_5, %add3A_17 : vector<16xi32>
    %gather3A_19 = tpu.vector_load_idx %arg7[%add3A_18] : memref<3000xf32, #tpu.memory_space<vmem>>[vector<16xi32>], vector<16xf32>,
    %gather3A_20 = tpu.vector_load_idx %arg7[%get3A_7] : memref<3000xf32, #tpu.memory_space<vmem>>[vector<16xi32>], vector<16xf32>,
    %add3A_21 = arith.constant 1000 : i32
    %add3A_22 = vector.broadcast %add3A_21 : i32 to vector<16xi32>
    %add3A_23 = arith.addi %get3A_7, %add3A_22 : vector<16xi32>
    %gather3A_24 = tpu.vector_load_idx %arg7[%add3A_23] : memref<3000xf32, #tpu.memory_space<vmem>>[vector<16xi32>], vector<16xf32>,
    %add3A_25 = arith.constant 2000 : i32
    %add3A_26 = vector.broadcast %add3A_25 : i32 to vector<16xi32>
    %add3A_27 = arith.addi %get3A_7, %add3A_26 : vector<16xi32>
    %gather3A_28 = tpu.vector_load_idx %arg7[%add3A_27] : memref<3000xf32, #tpu.memory_space<vmem>>[vector<16xi32>], vector<16xf32>,
    %gather3A_29 = tpu.vector_load_idx %arg7[%get3A_9] : memref<3000xf32, #tpu.memory_space<vmem>>[vector<16xi32>], vector<16xf32>,
    %add3A_30 = arith.constant 1000 : i32
    %add3A_31 = vector.broadcast %add3A_30 : i32 to vector<16xi32>
    %add3A_32 = arith.addi %get3A_9, %add3A_31 : vector<16xi32>
    %gather3A_33 = tpu.vector_load_idx %arg7[%add3A_32] : memref<3000xf32, #tpu.memory_space<vmem>>[vector<16xi32>], vector<16xf32>,
    %add3A_34 = arith.constant 2000 : i32
    %add3A_35 = vector.broadcast %add3A_34 : i32 to vector<16xi32>
    %add3A_36 = arith.addi %get3A_9, %add3A_35 : vector<16xi32>
    %gather3A_37 = tpu.vector_load_idx %arg7[%add3A_36] : memref<3000xf32, #tpu.memory_space<vmem>>[vector<16xi32>], vector<16xf32>,
    %gather3A_38 = tpu.vector_load_idx %arg7[%get3A_11] : memref<3000xf32, #tpu.memory_space<vmem>>[vector<16xi32>], vector<16xf32>,
    %add3A_39 = arith.constant 1000 : i32
    %add3A_40 = vector.broadcast %add3A_39 : i32 to vector<16xi32>
    %add3A_41 = arith.addi %get3A_11, %add3A_40 : vector<16xi32>
    %gather3A_42 = tpu.vector_load_idx %arg7[%add3A_41] : memref<3000xf32, #tpu.memory_space<vmem>>[vector<16xi32>], vector<16xf32>,
    %add3A_43 = arith.constant 2000 : i32
    %add3A_44 = vector.broadcast %add3A_43 : i32 to vector<16xi32>
    %add3A_45 = arith.addi %get3A_11, %add3A_44 : vector<16xi32>
    %gather3A_46 = tpu.vector_load_idx %arg7[%add3A_45] : memref<3000xf32, #tpu.memory_space<vmem>>[vector<16xi32>], vector<16xf32>,
    %swap3A = arith.constant 0 : index
    %swap3A_47 = tpu.vector_load %arg9[%swap3A] {strides = array<i32>} : memref<1024xf32, #tpu.memory_space<vmem>>, vector<16xf32>,
    tpu.vector_store %arg9[%swap3A], %gather3A {strides = array<i32>} : memref<1024xf32, #tpu.memory_space<vmem>>, vector<16xf32>,
    %swap3A_48 = arith.constant 0 : index
    %swap3A_49 = tpu.vector_load %arg10[%swap3A_48] {strides = array<i32>} : memref<1024xf32, #tpu.memory_space<vmem>>, vector<16xf32>,
    tpu.vector_store %arg10[%swap3A_48], %gather3A_15 {strides = array<i32>} : memref<1024xf32, #tpu.memory_space<vmem>>, vector<16xf32>,
    %swap3A_50 = arith.constant 0 : index
    %swap3A_51 = tpu.vector_load %arg11[%swap3A_50] {strides = array<i32>} : memref<1024xf32, #tpu.memory_space<vmem>>, vector<16xf32>,
    tpu.vector_store %arg11[%swap3A_50], %gather3A_19 {strides = array<i32>} : memref<1024xf32, #tpu.memory_space<vmem>>, vector<16xf32>,
    %swap3A_52 = arith.constant 16 : index
    %swap3A_53 = tpu.vector_load %arg9[%swap3A_52] {strides = array<i32>} : memref<1024xf32, #tpu.memory_space<vmem>>, vector<16xf32>,
    tpu.vector_store %arg9[%swap3A_52], %gather3A_20 {strides = array<i32>} : memref<1024xf32, #tpu.memory_space<vmem>>, vector<16xf32>,
    %swap3A_54 = arith.constant 16 : index
    %swap3A_55 = tpu.vector_load %arg10[%swap3A_54] {strides = array<i32>} : memref<1024xf32, #tpu.memory_space<vmem>>, vector<16xf32>,
    tpu.vector_store %arg10[%swap3A_54], %gather3A_24 {strides = array<i32>} : memref<1024xf32, #tpu.memory_space<vmem>>, vector<16xf32>,
    %swap3A_56 = arith.constant 16 : index
    %swap3A_57 = tpu.vector_load %arg11[%swap3A_56] {strides = array<i32>} : memref<1024xf32, #tpu.memory_space<vmem>>, vector<16xf32>,
    tpu.vector_store %arg11[%swap3A_56], %gather3A_28 {strides = array<i32>} : memref<1024xf32, #tpu.memory_space<vmem>>, vector<16xf32>,
    %swap3A_58 = arith.constant 32 : index
    %swap3A_59 = tpu.vector_load %arg9[%swap3A_58] {strides = array<i32>} : memref<1024xf32, #tpu.memory_space<vmem>>, vector<16xf32>,
    tpu.vector_store %arg9[%swap3A_58], %gather3A_29 {strides = array<i32>} : memref<1024xf32, #tpu.memory_space<vmem>>, vector<16xf32>,
    %swap3A_60 = arith.constant 32 : index
    %swap3A_61 = tpu.vector_load %arg10[%swap3A_60] {strides = array<i32>} : memref<1024xf32, #tpu.memory_space<vmem>>, vector<16xf32>,
    tpu.vector_store %arg10[%swap3A_60], %gather3A_33 {strides = array<i32>} : memref<1024xf32, #tpu.memory_space<vmem>>, vector<16xf32>,
    %swap3A_62 = arith.constant 32 : index
    %swap3A_63 = tpu.vector_load %arg11[%swap3A_62] {strides = array<i32>} : memref<1024xf32, #tpu.memory_space<vmem>>, vector<16xf32>,
    tpu.vector_store %arg11[%swap3A_62], %gather3A_37 {strides = array<i32>} : memref<1024xf32, #tpu.memory_space<vmem>>, vector<16xf32>,
    %swap3A_64 = arith.constant 48 : index
    %swap3A_65 = tpu.vector_load %arg9[%swap3A_64] {strides = array<i32>} : memref<1024xf32, #tpu.memory_space<vmem>>, vector<16xf32>,
    tpu.vector_store %arg9[%swap3A_64], %gather3A_38 {strides = array<i32>} : memref<1024xf32, #tpu.memory_space<vmem>>, vector<16xf32>,
    %swap3A_66 = arith.constant 48 : index
    %swap3A_67 = tpu.vector_load %arg10[%swap3A_66] {strides = array<i32>} : memref<1024xf32, #tpu.memory_space<vmem>>, vector<16xf32>,
    tpu.vector_store %arg10[%swap3A_66], %gather3A_42 {strides = array<i32>} : memref<1024xf32, #tpu.memory_space<vmem>>, vector<16xf32>,
    %swap3A_68 = arith.constant 48 : index
    %swap3A_69 = tpu.vector_load %arg11[%swap3A_68] {strides = array<i32>} : memref<1024xf32, #tpu.memory_space<vmem>>, vector<16xf32>,
    tpu.vector_store %arg11[%swap3A_68], %gather3A_46 {strides = array<i32>} : memref<1024xf32, #tpu.memory_space<vmem>>, vector<16xf32>,
    %get3A_70 = arith.constant 64 : index
    %get3A_71 = tpu.vector_load %arg8[%get3A_70] {strides = array<i32>} : memref<1024xi32, #tpu.memory_space<vmem>>, vector<16xi32>,
    %get3A_72 = arith.constant 80 : index
    %get3A_73 = tpu.vector_load %arg8[%get3A_72] {strides = array<i32>} : memref<1024xi32, #tpu.memory_space<vmem>>, vector<16xi32>,
    %get3A_74 = arith.constant 96 : index
    %get3A_75 = tpu.vector_load %arg8[%get3A_74] {strides = array<i32>} : memref<1024xi32, #tpu.memory_space<vmem>>, vector<16xi32>,
    %get3A_76 = arith.constant 112 : index
    %get3A_77 = tpu.vector_load %arg8[%get3A_76] {strides = array<i32>} : memref<1024xi32, #tpu.memory_space<vmem>>, vector<16xi32>,
    %gather3A_78 = tpu.vector_load_idx %arg7[%get3A_71] : memref<3000xf32, #tpu.memory_space<vmem>>[vector<16xi32>], vector<16xf32>,
    %add3A_79 = arith.constant 1000 : i32
    %add3A_80 = vector.broadcast %add3A_79 : i32 to vector<16xi32>
    %add3A_81 = arith.addi %get3A_71, %add3A_80 : vector<16xi32>
    %gather3A_82 = tpu.vector_load_idx %arg7[%add3A_81] : memref<3000xf32, #tpu.memory_space<vmem>>[vector<16xi32>], vector<16xf32>,
    %add3A_83 = arith.constant 2000 : i32
    %add3A_84 = vector.broadcast %add3A_83 : i32 to vector<16xi32>
    %add3A_85 = arith.addi %get3A_71, %add3A_84 : vector<16xi32>
    %gather3A_86 = tpu.vector_load_idx %arg7[%add3A_85] : memref<3000xf32, #tpu.memory_space<vmem>>[vector<16xi32>], vector<16xf32>,
    %gather3A_87 = tpu.vector_load_idx %arg7[%get3A_73] : memref<3000xf32, #tpu.memory_space<vmem>>[vector<16xi32>], vector<16xf32>,
    %add3A_88 = arith.constant 1000 : i32
    %add3A_89 = vector.broadcast %add3A_88 : i32 to vector<16xi32>
    %add3A_90 = arith.addi %get3A_73, %add3A_89 : vector<16xi32>
    %gather3A_91 = tpu.vector_load_idx %arg7[%add3A_90] : memref<3000xf32, #tpu.memory_space<vmem>>[vector<16xi32>], vector<16xf32>,
    %add3A_92 = arith.constant 2000 : i32
    %add3A_93 = vector.broadcast %add3A_92 : i32 to vector<16xi32>
    %add3A_94 = arith.addi %get3A_73, %add3A_93 : vector<16xi32>
    %gather3A_95 = tpu.vector_load_idx %arg7[%add3A_94] : memref<3000xf32, #tpu.memory_space<vmem>>[vector<16xi32>], vector<16xf32>,
    %gather3A_96 = tpu.vector_load_idx %arg7[%get3A_75] : memref<3000xf32, #tpu.memory_space<vmem>>[vector<16xi32>], vector<16xf32>,
    %add3A_97 = arith.constant 1000 : i32
    %add3A_98 = vector.broadcast %add3A_97 : i32 to vector<16xi32>
    %add3A_99 = arith.addi %get3A_75, %add3A_98 : vector<16xi32>
    %gather3A_100 = tpu.vector_load_idx %arg7[%add3A_99] : memref<3000xf32, #tpu.memory_space<vmem>>[vector<16xi32>], vector<16xf32>,
    %add3A_101 = arith.constant 2000 : i32
    %add3A_102 = vector.broadcast %add3A_101 : i32 to vector<16xi32>
    %add3A_103 = arith.addi %get3A_75, %add3A_102 : vector<16xi32>
    %gather3A_104 = tpu.vector_load_idx %arg7[%add3A_103] : memref<3000xf32, #tpu.memory_space<vmem>>[vector<16xi32>], vector<16xf32>,
    %gather3A_105 = tpu.vector_load_idx %arg7[%get3A_77] : memref<3000xf32, #tpu.memory_space<vmem>>[vector<16xi32>], vector<16xf32>,
    %add3A_106 = arith.constant 1000 : i32
    %add3A_107 = vector.broadcast %add3A_106 : i32 to vector<16xi32>
    %add3A_108 = arith.addi %get3A_77, %add3A_107 : vector<16xi32>
    %gather3A_109 = tpu.vector_load_idx %arg7[%add3A_108] : memref<3000xf32, #tpu.memory_space<vmem>>[vector<16xi32>], vector<16xf32>,
    %add3A_110 = arith.constant 2000 : i32
    %add3A_111 = vector.broadcast %add3A_110 : i32 to vector<16xi32>
    %add3A_112 = arith.addi %get3A_77, %add3A_111 : vector<16xi32>
    %gather3A_113 = tpu.vector_load_idx %arg7[%add3A_112] : memref<3000xf32, #tpu.memory_space<vmem>>[vector<16xi32>], vector<16xf32>,
    %swap3A_114 = arith.constant 64 : index
    %swap3A_115 = tpu.vector_load %arg9[%swap3A_114] {strides = array<i32>} : memref<1024xf32, #tpu.memory_space<vmem>>, vector<16xf32>,
    tpu.vector_store %arg9[%swap3A_114], %gather3A_78 {strides = array<i32>} : memref<1024xf32, #tpu.memory_space<vmem>>, vector<16xf32>,
    %swap3A_116 = arith.constant 64 : index
    %swap3A_117 = tpu.vector_load %arg10[%swap3A_116] {strides = array<i32>} : memref<1024xf32, #tpu.memory_space<vmem>>, vector<16xf32>,
    tpu.vector_store %arg10[%swap3A_116], %gather3A_82 {strides = array<i32>} : memref<1024xf32, #tpu.memory_space<vmem>>, vector<16xf32>,
    %swap3A_118 = arith.constant 64 : index
    %swap3A_119 = tpu.vector_load %arg11[%swap3A_118] {strides = array<i32>} : memref<1024xf32, #tpu.memory_space<vmem>>, vector<16xf32>,
    tpu.vector_store %arg11[%swap3A_118], %gather3A_86 {strides = array<i32>} : memref<1024xf32, #tpu.memory_space<vmem>>, vector<16xf32>,
    %swap3A_120 = arith.constant 80 : index
    %swap3A_121 = tpu.vector_load %arg9[%swap3A_120] {strides = array<i32>} : memref<1024xf32, #tpu.memory_space<vmem>>, vector<16xf32>,
    tpu.vector_store %arg9[%swap3A_120], %gather3A_87 {strides = array<i32>} : memref<1024xf32, #tpu.memory_space<vmem>>, vector<16xf32>,
    %swap3A_122 = arith.constant 80 : index
    %swap3A_123 = tpu.vector_load %arg10[%swap3A_122] {strides = array<i32>} : memref<1024xf32, #tpu.memory_space<vmem>>, vector<16xf32>,
    tpu.vector_store %arg10[%swap3A_122], %gather3A_91 {strides = array<i32>} : memref<1024xf32, #tpu.memory_space<vmem>>, vector<16xf32>,
    %swap3A_124 = arith.constant 80 : index
    %swap3A_125 = tpu.vector_load %arg11[%swap3A_124] {strides = array<i32>} : memref<1024xf32, #tpu.memory_space<vmem>>, vector<16xf32>,
    tpu.vector_store %arg11[%swap3A_124], %gather3A_95 {strides = array<i32>} : memref<1024xf32, #tpu.memory_space<vmem>>, vector<16xf32>,
    %swap3A_126 = arith.constant 96 : index
    %swap3A_127 = tpu.vector_load %arg9[%swap3A_126] {strides = array<i32>} : memref<1024xf32, #tpu.memory_space<vmem>>, vector<16xf32>,
    tpu.vector_store %arg9[%swap3A_126], %gather3A_96 {strides = array<i32>} : memref<1024xf32, #tpu.memory_space<vmem>>, vector<16xf32>,
    %swap3A_128 = arith.constant 96 : index
    %swap3A_129 = tpu.vector_load %arg10[%swap3A_128] {strides = array<i32>} : memref<1024xf32, #tpu.memory_space<vmem>>, vector<16xf32>,
    tpu.vector_store %arg10[%swap3A_128], %gather3A_100 {strides = array<i32>} : memref<1024xf32, #tpu.memory_space<vmem>>, vector<16xf32>,
    %swap3A_130 = arith.constant 96 : index
    %swap3A_131 = tpu.vector_load %arg11[%swap3A_130] {strides = array<i32>} : memref<1024xf32, #tpu.memory_space<vmem>>, vector<16xf32>,
    tpu.vector_store %arg11[%swap3A_130], %gather3A_104 {strides = array<i32>} : memref<1024xf32, #tpu.memory_space<vmem>>, vector<16xf32>,
    %swap3A_132 = arith.constant 112 : index
    %swap3A_133 = tpu.vector_load %arg9[%swap3A_132] {strides = array<i32>} : memref<1024xf32, #tpu.memory_space<vmem>>, vector<16xf32>,
    tpu.vector_store %arg9[%swap3A_132], %gather3A_105 {strides = array<i32>} : memref<1024xf32, #tpu.memory_space<vmem>>, vector<16xf32>,
    %swap3A_134 = arith.constant 112 : index
    %swap3A_135 = tpu.vector_load %arg10[%swap3A_134] {strides = array<i32>} : memref<1024xf32, #tpu.memory_space<vmem>>, vector<16xf32>,
    tpu.vector_store %arg10[%swap3A_134], %gather3A_109 {strides = array<i32>} : memref<1024xf32, #tpu.memory_space<vmem>>, vector<16xf32>,
    %swap3A_136 = arith.constant 112 : index
    %swap3A_137 = tpu.vector_load %arg11[%swap3A_136] {strides = array<i32>} : memref<1024xf32, #tpu.memory_space<vmem>>, vector<16xf32>,
    tpu.vector_store %arg11[%swap3A_136], %gather3A_113 {strides = array<i32>} : memref<1024xf32, #tpu.memory_space<vmem>>, vector<16xf32>,
    %get3A_138 = arith.constant 128 : index
    %get3A_139 = tpu.vector_load %arg8[%get3A_138] {strides = array<i32>} : memref<1024xi32, #tpu.memory_space<vmem>>, vector<16xi32>,
    %get3A_140 = arith.constant 144 : index
    %get3A_141 = tpu.vector_load %arg8[%get3A_140] {strides = array<i32>} : memref<1024xi32, #tpu.memory_space<vmem>>, vector<16xi32>,
    %get3A_142 = arith.constant 160 : index
    %get3A_143 = tpu.vector_load %arg8[%get3A_142] {strides = array<i32>} : memref<1024xi32, #tpu.memory_space<vmem>>, vector<16xi32>,
    %get3A_144 = arith.constant 176 : index
    %get3A_145 = tpu.vector_load %arg8[%get3A_144] {strides = array<i32>} : memref<1024xi32, #tpu.memory_space<vmem>>, vector<16xi32>,
    %gather3A_146 = tpu.vector_load_idx %arg7[%get3A_139] : memref<3000xf32, #tpu.memory_space<vmem>>[vector<16xi32>], vector<16xf32>,
    %add3A_147 = arith.constant 1000 : i32
    %add3A_148 = vector.broadcast %add3A_147 : i32 to vector<16xi32>
    %add3A_149 = arith.addi %get3A_139, %add3A_148 : vector<16xi32>
    %gather3A_150 = tpu.vector_load_idx %arg7[%add3A_149] : memref<3000xf32, #tpu.memory_space<vmem>>[vector<16xi32>], vector<16xf32>,
    %add3A_151 = arith.constant 2000 : i32
    %add3A_152 = vector.broadcast %add3A_151 : i32 to vector<16xi32>
    %add3A_153 = arith.addi %get3A_139, %add3A_152 : vector<16xi32>
    %gather3A_154 = tpu.vector_load_idx %arg7[%add3A_153] : memref<3000xf32, #tpu.memory_space<vmem>>[vector<16xi32>], vector<16xf32>,
    %gather3A_155 = tpu.vector_load_idx %arg7[%get3A_141] : memref<3000xf32, #tpu.memory_space<vmem>>[vector<16xi32>], vector<16xf32>,
    %add3A_156 = arith.constant 1000 : i32
    %add3A_157 = vector.broadcast %add3A_156 : i32 to vector<16xi32>
    %add3A_158 = arith.addi %get3A_141, %add3A_157 : vector<16xi32>
    %gather3A_159 = tpu.vector_load_idx %arg7[%add3A_158] : memref<3000xf32, #tpu.memory_space<vmem>>[vector<16xi32>], vector<16xf32>,
    %add3A_160 = arith.constant 2000 : i32
    %add3A_161 = vector.broadcast %add3A_160 : i32 to vector<16xi32>
    %add3A_162 = arith.addi %get3A_141, %add3A_161 : vector<16xi32>
    %gather3A_163 = tpu.vector_load_idx %arg7[%add3A_162] : memref<3000xf32, #tpu.memory_space<vmem>>[vector<16xi32>], vector<16xf32>,
    %gather3A_164 = tpu.vector_load_idx %arg7[%get3A_143] : memref<3000xf32, #tpu.memory_space<vmem>>[vector<16xi32>], vector<16xf32>,
    %add3A_165 = arith.constant 1000 : i32
    %add3A_166 = vector.broadcast %add3A_165 : i32 to vector<16xi32>
    %add3A_167 = arith.addi %get3A_143, %add3A_166 : vector<16xi32>
    %gather3A_168 = tpu.vector_load_idx %arg7[%add3A_167] : memref<3000xf32, #tpu.memory_space<vmem>>[vector<16xi32>], vector<16xf32>,
    %add3A_169 = arith.constant 2000 : i32
    %add3A_170 = vector.broadcast %add3A_169 : i32 to vector<16xi32>
    %add3A_171 = arith.addi %get3A_143, %add3A_170 : vector<16xi32>
    %gather3A_172 = tpu.vector_load_idx %arg7[%add3A_171] : memref<3000xf32, #tpu.memory_space<vmem>>[vector<16xi32>], vector<16xf32>,
    %gather3A_173 = tpu.vector_load_idx %arg7[%get3A_145] : memref<3000xf32, #tpu.memory_space<vmem>>[vector<16xi32>], vector<16xf32>,
    %add3A_174 = arith.constant 1000 : i32
    %add3A_175 = vector.broadcast %add3A_174 : i32 to vector<16xi32>
    %add3A_176 = arith.addi %get3A_145, %add3A_175 : vector<16xi32>
    %gather3A_177 = tpu.vector_load_idx %arg7[%add3A_176] : memref<3000xf32, #tpu.memory_space<vmem>>[vector<16xi32>], vector<16xf32>,
    %add3A_178 = arith.constant 2000 : i32
    %add3A_179 = vector.broadcast %add3A_178 : i32 to vector<16xi32>
    %add3A_180 = arith.addi %get3A_145, %add3A_179 : vector<16xi32>
    %gather3A_181 = tpu.vector_load_idx %arg7[%add3A_180] : memref<3000xf32, #tpu.memory_space<vmem>>[vector<16xi32>], vector<16xf32>,
    %swap3A_182 = arith.constant 128 : index
    %swap3A_183 = tpu.vector_load %arg9[%swap3A_182] {strides = array<i32>} : memref<1024xf32, #tpu.memory_space<vmem>>, vector<16xf32>,
    tpu.vector_store %arg9[%swap3A_182], %gather3A_146 {strides = array<i32>} : memref<1024xf32, #tpu.memory_space<vmem>>, vector<16xf32>,
    %swap3A_184 = arith.constant 128 : index
    %swap3A_185 = tpu.vector_load %arg10[%swap3A_184] {strides = array<i32>} : memref<1024xf32, #tpu.memory_space<vmem>>, vector<16xf32>,
    tpu.vector_store %arg10[%swap3A_184], %gather3A_150 {strides = array<i32>} : memref<1024xf32, #tpu.memory_space<vmem>>, vector<16xf32>,
    %swap3A_186 = arith.constant 128 : index
    %swap3A_187 = tpu.vector_load %arg11[%swap3A_186] {strides = array<i32>} : memref<1024xf32, #tpu.memory_space<vmem>>, vector<16xf32>,
    tpu.vector_store %arg11[%swap3A_186], %gather3A_154 {strides = array<i32>} : memref<1024xf32, #tpu.memory_space<vmem>>, vector<16xf32>,
    %swap3A_188 = arith.constant 144 : index
    %swap3A_189 = tpu.vector_load %arg9[%swap3A_188] {strides = array<i32>} : memref<1024xf32, #tpu.memory_space<vmem>>, vector<16xf32>,
    tpu.vector_store %arg9[%swap3A_188], %gather3A_155 {strides = array<i32>} : memref<1024xf32, #tpu.memory_space<vmem>>, vector<16xf32>,
    %swap3A_190 = arith.constant 144 : index
    %swap3A_191 = tpu.vector_load %arg10[%swap3A_190] {strides = array<i32>} : memref<1024xf32, #tpu.memory_space<vmem>>, vector<16xf32>,
    tpu.vector_store %arg10[%swap3A_190], %gather3A_159 {strides = array<i32>} : memref<1024xf32, #tpu.memory_space<vmem>>, vector<16xf32>,
    %swap3A_192 = arith.constant 144 : index
    %swap3A_193 = tpu.vector_load %arg11[%swap3A_192] {strides = array<i32>} : memref<1024xf32, #tpu.memory_space<vmem>>, vector<16xf32>,
    tpu.vector_store %arg11[%swap3A_192], %gather3A_163 {strides = array<i32>} : memref<1024xf32, #tpu.memory_space<vmem>>, vector<16xf32>,
    %swap3A_194 = arith.constant 160 : index
    %swap3A_195 = tpu.vector_load %arg9[%swap3A_194] {strides = array<i32>} : memref<1024xf32, #tpu.memory_space<vmem>>, vector<16xf32>,
    tpu.vector_store %arg9[%swap3A_194], %gather3A_164 {strides = array<i32>} : memref<1024xf32, #tpu.memory_space<vmem>>, vector<16xf32>,
    %swap3A_196 = arith.constant 160 : index
    %swap3A_197 = tpu.vector_load %arg10[%swap3A_196] {strides = array<i32>} : memref<1024xf32, #tpu.memory_space<vmem>>, vector<16xf32>,
    tpu.vector_store %arg10[%swap3A_196], %gather3A_168 {strides = array<i32>} : memref<1024xf32, #tpu.memory_space<vmem>>, vector<16xf32>,
    %swap3A_198 = arith.constant 160 : index
    %swap3A_199 = tpu.vector_load %arg11[%swap3A_198] {strides = array<i32>} : memref<1024xf32, #tpu.memory_space<vmem>>, vector<16xf32>,
    tpu.vector_store %arg11[%swap3A_198], %gather3A_172 {strides = array<i32>} : memref<1024xf32, #tpu.memory_space<vmem>>, vector<16xf32>,
    %swap3A_200 = arith.constant 176 : index
    %swap3A_201 = tpu.vector_load %arg9[%swap3A_200] {strides = array<i32>} : memref<1024xf32, #tpu.memory_space<vmem>>, vector<16xf32>,
    tpu.vector_store %arg9[%swap3A_200], %gather3A_173 {strides = array<i32>} : memref<1024xf32, #tpu.memory_space<vmem>>, vector<16xf32>,
    %swap3A_202 = arith.constant 176 : index
    %swap3A_203 = tpu.vector_load %arg10[%swap3A_202] {strides = array<i32>} : memref<1024xf32, #tpu.memory_space<vmem>>, vector<16xf32>,
    tpu.vector_store %arg10[%swap3A_202], %gather3A_177 {strides = array<i32>} : memref<1024xf32, #tpu.memory_space<vmem>>, vector<16xf32>,
    %swap3A_204 = arith.constant 176 : index
    %swap3A_205 = tpu.vector_load %arg11[%swap3A_204] {strides = array<i32>} : memref<1024xf32, #tpu.memory_space<vmem>>, vector<16xf32>,
    tpu.vector_store %arg11[%swap3A_204], %gather3A_181 {strides = array<i32>} : memref<1024xf32, #tpu.memory_space<vmem>>, vector<16xf32>,
    %get3A_206 = arith.constant 192 : index
    %get3A_207 = tpu.vector_load %arg8[%get3A_206] {strides = array<i32>} : memref<1024xi32, #tpu.memory_space<vmem>>, vector<16xi32>,
    %get3A_208 = arith.constant 208 : index
    %get3A_209 = tpu.vector_load %arg8[%get3A_208] {strides = array<i32>} : memref<1024xi32, #tpu.memory_space<vmem>>, vector<16xi32>,
    %get3A_210 = arith.constant 224 : index
    %get3A_211 = tpu.vector_load %arg8[%get3A_210] {strides = array<i32>} : memref<1024xi32, #tpu.memory_space<vmem>>, vector<16xi32>,
    %get3A_212 = arith.constant 240 : index
    %get3A_213 = tpu.vector_load %arg8[%get3A_212] {strides = array<i32>} : memref<1024xi32, #tpu.memory_space<vmem>>, vector<16xi32>,
    %gather3A_214 = tpu.vector_load_idx %arg7[%get3A_207] : memref<3000xf32, #tpu.memory_space<vmem>>[vector<16xi32>], vector<16xf32>,
    %add3A_215 = arith.constant 1000 : i32
    %add3A_216 = vector.broadcast %add3A_215 : i32 to vector<16xi32>
    %add3A_217 = arith.addi %get3A_207, %add3A_216 : vector<16xi32>
    %gather3A_218 = tpu.vector_load_idx %arg7[%add3A_217] : memref<3000xf32, #tpu.memory_space<vmem>>[vector<16xi32>], vector<16xf32>,
    %add3A_219 = arith.constant 2000 : i32
    %add3A_220 = vector.broadcast %add3A_219 : i32 to vector<16xi32>
    %add3A_221 = arith.addi %get3A_207, %add3A_220 : vector<16xi32>
    %gather3A_222 = tpu.vector_load_idx %arg7[%add3A_221] : memref<3000xf32, #tpu.memory_space<vmem>>[vector<16xi32>], vector<16xf32>,
    %gather3A_223 = tpu.vector_load_idx %arg7[%get3A_209] : memref<3000xf32, #tpu.memory_space<vmem>>[vector<16xi32>], vector<16xf32>,
    %add3A_224 = arith.constant 1000 : i32
    %add3A_225 = vector.broadcast %add3A_224 : i32 to vector<16xi32>
    %add3A_226 = arith.addi %get3A_209, %add3A_225 : vector<16xi32>
    %gather3A_227 = tpu.vector_load_idx %arg7[%add3A_226] : memref<3000xf32, #tpu.memory_space<vmem>>[vector<16xi32>], vector<16xf32>,
    %add3A_228 = arith.constant 2000 : i32
    %add3A_229 = vector.broadcast %add3A_228 : i32 to vector<16xi32>
    %add3A_230 = arith.addi %get3A_209, %add3A_229 : vector<16xi32>
    %gather3A_231 = tpu.vector_load_idx %arg7[%add3A_230] : memref<3000xf32, #tpu.memory_space<vmem>>[vector<16xi32>], vector<16xf32>,
    %gather3A_232 = tpu.vector_load_idx %arg7[%get3A_211] : memref<3000xf32, #tpu.memory_space<vmem>>[vector<16xi32>], vector<16xf32>,
    %add3A_233 = arith.constant 1000 : i32
    %add3A_234 = vector.broadcast %add3A_233 : i32 to vector<16xi32>
    %add3A_235 = arith.addi %get3A_211, %add3A_234 : vector<16xi32>
    %gather3A_236 = tpu.vector_load_idx %arg7[%add3A_235] : memref<3000xf32, #tpu.memory_space<vmem>>[vector<16xi32>], vector<16xf32>,
    %add3A_237 = arith.constant 2000 : i32
    %add3A_238 = vector.broadcast %add3A_237 : i32 to vector<16xi32>
    %add3A_239 = arith.addi %get3A_211, %add3A_238 : vector<16xi32>
    %gather3A_240 = tpu.vector_load_idx %arg7[%add3A_239] : memref<3000xf32, #tpu.memory_space<vmem>>[vector<16xi32>], vector<16xf32>,
    %gather3A_241 = tpu.vector_load_idx %arg7[%get3A_213] : memref<3000xf32, #tpu.memory_space<vmem>>[vector<16xi32>], vector<16xf32>,
    %add3A_242 = arith.constant 1000 : i32
    %add3A_243 = vector.broadcast %add3A_242 : i32 to vector<16xi32>
    %add3A_244 = arith.addi %get3A_213, %add3A_243 : vector<16xi32>
    %gather3A_245 = tpu.vector_load_idx %arg7[%add3A_244] : memref<3000xf32, #tpu.memory_space<vmem>>[vector<16xi32>], vector<16xf32>,
    %add3A_246 = arith.constant 2000 : i32
    %add3A_247 = vector.broadcast %add3A_246 : i32 to vector<16xi32>
    %add3A_248 = arith.addi %get3A_213, %add3A_247 : vector<16xi32>
    %gather3A_249 = tpu.vector_load_idx %arg7[%add3A_248] : memref<3000xf32, #tpu.memory_space<vmem>>[vector<16xi32>], vector<16xf32>,
    %swap3A_250 = arith.constant 192 : index
    %swap3A_251 = tpu.vector_load %arg9[%swap3A_250] {strides = array<i32>} : memref<1024xf32, #tpu.memory_space<vmem>>, vector<16xf32>,
    tpu.vector_store %arg9[%swap3A_250], %gather3A_214 {strides = array<i32>} : memref<1024xf32, #tpu.memory_space<vmem>>, vector<16xf32>,
    %swap3A_252 = arith.constant 192 : index
    %swap3A_253 = tpu.vector_load %arg10[%swap3A_252] {strides = array<i32>} : memref<1024xf32, #tpu.memory_space<vmem>>, vector<16xf32>,
    tpu.vector_store %arg10[%swap3A_252], %gather3A_218 {strides = array<i32>} : memref<1024xf32, #tpu.memory_space<vmem>>, vector<16xf32>,
    %swap3A_254 = arith.constant 192 : index
    %swap3A_255 = tpu.vector_load %arg11[%swap3A_254] {strides = array<i32>} : memref<1024xf32, #tpu.memory_space<vmem>>, vector<16xf32>,
    tpu.vector_store %arg11[%swap3A_254], %gather3A_222 {strides = array<i32>} : memref<1024xf32, #tpu.memory_space<vmem>>, vector<16xf32>,
    %swap3A_256 = arith.constant 208 : index
    %swap3A_257 = tpu.vector_load %arg9[%swap3A_256] {strides = array<i32>} : memref<1024xf32, #tpu.memory_space<vmem>>, vector<16xf32>,
    tpu.vector_store %arg9[%swap3A_256], %gather3A_223 {strides = array<i32>} : memref<1024xf32, #tpu.memory_space<vmem>>, vector<16xf32>,
    %swap3A_258 = arith.constant 208 : index
    %swap3A_259 = tpu.vector_load %arg10[%swap3A_258] {strides = array<i32>} : memref<1024xf32, #tpu.memory_space<vmem>>, vector<16xf32>,
    tpu.vector_store %arg10[%swap3A_258], %gather3A_227 {strides = array<i32>} : memref<1024xf32, #tpu.memory_space<vmem>>, vector<16xf32>,
    %swap3A_260 = arith.constant 208 : index
    %swap3A_261 = tpu.vector_load %arg11[%swap3A_260] {strides = array<i32>} : memref<1024xf32, #tpu.memory_space<vmem>>, vector<16xf32>,
    tpu.vector_store %arg11[%swap3A_260], %gather3A_231 {strides = array<i32>} : memref<1024xf32, #tpu.memory_space<vmem>>, vector<16xf32>,
    %swap3A_262 = arith.constant 224 : index
    %swap3A_263 = tpu.vector_load %arg9[%swap3A_262] {strides = array<i32>} : memref<1024xf32, #tpu.memory_space<vmem>>, vector<16xf32>,
    tpu.vector_store %arg9[%swap3A_262], %gather3A_232 {strides = array<i32>} : memref<1024xf32, #tpu.memory_space<vmem>>, vector<16xf32>,
    %swap3A_264 = arith.constant 224 : index
    %swap3A_265 = tpu.vector_load %arg10[%swap3A_264] {strides = array<i32>} : memref<1024xf32, #tpu.memory_space<vmem>>, vector<16xf32>,
    tpu.vector_store %arg10[%swap3A_264], %gather3A_236 {strides = array<i32>} : memref<1024xf32, #tpu.memory_space<vmem>>, vector<16xf32>,
    %swap3A_266 = arith.constant 224 : index
    %swap3A_267 = tpu.vector_load %arg11[%swap3A_266] {strides = array<i32>} : memref<1024xf32, #tpu.memory_space<vmem>>, vector<16xf32>,
    tpu.vector_store %arg11[%swap3A_266], %gather3A_240 {strides = array<i32>} : memref<1024xf32, #tpu.memory_space<vmem>>, vector<16xf32>,
    %swap3A_268 = arith.constant 240 : index
    %swap3A_269 = tpu.vector_load %arg9[%swap3A_268] {strides = array<i32>} : memref<1024xf32, #tpu.memory_space<vmem>>, vector<16xf32>,
    tpu.vector_store %arg9[%swap3A_268], %gather3A_241 {strides = array<i32>} : memref<1024xf32, #tpu.memory_space<vmem>>, vector<16xf32>,
    %swap3A_270 = arith.constant 240 : index
    %swap3A_271 = tpu.vector_load %arg10[%swap3A_270] {strides = array<i32>} : memref<1024xf32, #tpu.memory_space<vmem>>, vector<16xf32>,
    tpu.vector_store %arg10[%swap3A_270], %gather3A_245 {strides = array<i32>} : memref<1024xf32, #tpu.memory_space<vmem>>, vector<16xf32>,
    %swap3A_272 = arith.constant 240 : index
    %swap3A_273 = tpu.vector_load %arg11[%swap3A_272] {strides = array<i32>} : memref<1024xf32, #tpu.memory_space<vmem>>, vector<16xf32>,
    tpu.vector_store %arg11[%swap3A_272], %gather3A_249 {strides = array<i32>} : memref<1024xf32, #tpu.memory_space<vmem>>, vector<16xf32>,
    %get3A_274 = arith.constant 256 : index
    %get3A_275 = tpu.vector_load %arg8[%get3A_274] {strides = array<i32>} : memref<1024xi32, #tpu.memory_space<vmem>>, vector<16xi32>,
    %get3A_276 = arith.constant 272 : index
    %get3A_277 = tpu.vector_load %arg8[%get3A_276] {strides = array<i32>} : memref<1024xi32, #tpu.memory_space<vmem>>, vector<16xi32>,
    %get3A_278 = arith.constant 288 : index
    %get3A_279 = tpu.vector_load %arg8[%get3A_278] {strides = array<i32>} : memref<1024xi32, #tpu.memory_space<vmem>>, vector<16xi32>,
    %get3A_280 = arith.constant 304 : index
    %get3A_281 = tpu.vector_load %arg8[%get3A_280] {strides = array<i32>} : memref<1024xi32, #tpu.memory_space<vmem>>, vector<16xi32>,
    %gather3A_282 = tpu.vector_load_idx %arg7[%get3A_275] : memref<3000xf32, #tpu.memory_space<vmem>>[vector<16xi32>], vector<16xf32>,
    %add3A_283 = arith.constant 1000 : i32
    %add3A_284 = vector.broadcast %add3A_283 : i32 to vector<16xi32>
    %add3A_285 = arith.addi %get3A_275, %add3A_284 : vector<16xi32>
    %gather3A_286 = tpu.vector_load_idx %arg7[%add3A_285] : memref<3000xf32, #tpu.memory_space<vmem>>[vector<16xi32>], vector<16xf32>,
    %add3A_287 = arith.constant 2000 : i32
    %add3A_288 = vector.broadcast %add3A_287 : i32 to vector<16xi32>
    %add3A_289 = arith.addi %get3A_275, %add3A_288 : vector<16xi32>
    %gather3A_290 = tpu.vector_load_idx %arg7[%add3A_289] : memref<3000xf32, #tpu.memory_space<vmem>>[vector<16xi32>], vector<16xf32>,
    %gather3A_291 = tpu.vector_load_idx %arg7[%get3A_277] : memref<3000xf32, #tpu.memory_space<vmem>>[vector<16xi32>], vector<16xf32>,
    %add3A_292 = arith.constant 1000 : i32
    %add3A_293 = vector.broadcast %add3A_292 : i32 to vector<16xi32>
    %add3A_294 = arith.addi %get3A_277, %add3A_293 : vector<16xi32>
    %gather3A_295 = tpu.vector_load_idx %arg7[%add3A_294] : memref<3000xf32, #tpu.memory_space<vmem>>[vector<16xi32>], vector<16xf32>,
    %add3A_296 = arith.constant 2000 : i32
    %add3A_297 = vector.broadcast %add3A_296 : i32 to vector<16xi32>
    %add3A_298 = arith.addi %get3A_277, %add3A_297 : vector<16xi32>
    %gather3A_299 = tpu.vector_load_idx %arg7[%add3A_298] : memref<3000xf32, #tpu.memory_space<vmem>>[vector<16xi32>], vector<16xf32>,
    %gather3A_300 = tpu.vector_load_idx %arg7[%get3A_279] : memref<3000xf32, #tpu.memory_space<vmem>>[vector<16xi32>], vector<16xf32>,
    %add3A_301 = arith.constant 1000 : i32
    %add3A_302 = vector.broadcast %add3A_301 : i32 to vector<16xi32>
    %add3A_303 = arith.addi %get3A_279, %add3A_302 : vector<16xi32>
    %gather3A_304 = tpu.vector_load_idx %arg7[%add3A_303] : memref<3000xf32, #tpu.memory_space<vmem>>[vector<16xi32>], vector<16xf32>,
    %add3A_305 = arith.constant 2000 : i32
    %add3A_306 = vector.broadcast %add3A_305 : i32 to vector<16xi32>
    %add3A_307 = arith.addi %get3A_279, %add3A_306 : vector<16xi32>
    %gather3A_308 = tpu.vector_load_idx %arg7[%add3A_307] : memref<3000xf32, #tpu.memory_space<vmem>>[vector<16xi32>], vector<16xf32>,
    %gather3A_309 = tpu.vector_load_idx %arg7[%get3A_281] : memref<3000xf32, #tpu.memory_space<vmem>>[vector<16xi32>], vector<16xf32>,
    %add3A_310 = arith.constant 1000 : i32
    %add3A_311 = vector.broadcast %add3A_310 : i32 to vector<16xi32>
    %add3A_312 = arith.addi %get3A_281, %add3A_311 : vector<16xi32>
    %gather3A_313 = tpu.vector_load_idx %arg7[%add3A_312] : memref<3000xf32, #tpu.memory_space<vmem>>[vector<16xi32>], vector<16xf32>,
    %add3A_314 = arith.constant 2000 : i32
    %add3A_315 = vector.broadcast %add3A_314 : i32 to vector<16xi32>
    %add3A_316 = arith.addi %get3A_281, %add3A_315 : vector<16xi32>
    %gather3A_317 = tpu.vector_load_idx %arg7[%add3A_316] : memref<3000xf32, #tpu.memory_space<vmem>>[vector<16xi32>], vector<16xf32>,
    %swap3A_318 = arith.constant 256 : index
    %swap3A_319 = tpu.vector_load %arg9[%swap3A_318] {strides = array<i32>} : memref<1024xf32, #tpu.memory_space<vmem>>, vector<16xf32>,
    tpu.vector_store %arg9[%swap3A_318], %gather3A_282 {strides = array<i32>} : memref<1024xf32, #tpu.memory_space<vmem>>, vector<16xf32>,
    %swap3A_320 = arith.constant 256 : index
    %swap3A_321 = tpu.vector_load %arg10[%swap3A_320] {strides = array<i32>} : memref<1024xf32, #tpu.memory_space<vmem>>, vector<16xf32>,
    tpu.vector_store %arg10[%swap3A_320], %gather3A_286 {strides = array<i32>} : memref<1024xf32, #tpu.memory_space<vmem>>, vector<16xf32>,
    %swap3A_322 = arith.constant 256 : index
    %swap3A_323 = tpu.vector_load %arg11[%swap3A_322] {strides = array<i32>} : memref<1024xf32, #tpu.memory_space<vmem>>, vector<16xf32>,
    tpu.vector_store %arg11[%swap3A_322], %gather3A_290 {strides = array<i32>} : memref<1024xf32, #tpu.memory_space<vmem>>, vector<16xf32>,
    %swap3A_324 = arith.constant 272 : index
    %swap3A_325 = tpu.vector_load %arg9[%swap3A_324] {strides = array<i32>} : memref<1024xf32, #tpu.memory_space<vmem>>, vector<16xf32>,
    tpu.vector_store %arg9[%swap3A_324], %gather3A_291 {strides = array<i32>} : memref<1024xf32, #tpu.memory_space<vmem>>, vector<16xf32>,
    %swap3A_326 = arith.constant 272 : index
    %swap3A_327 = tpu.vector_load %arg10[%swap3A_326] {strides = array<i32>} : memref<1024xf32, #tpu.memory_space<vmem>>, vector<16xf32>,
    tpu.vector_store %arg10[%swap3A_326], %gather3A_295 {strides = array<i32>} : memref<1024xf32, #tpu.memory_space<vmem>>, vector<16xf32>,
    %swap3A_328 = arith.constant 272 : index
    %swap3A_329 = tpu.vector_load %arg11[%swap3A_328] {strides = array<i32>} : memref<1024xf32, #tpu.memory_space<vmem>>, vector<16xf32>,
    tpu.vector_store %arg11[%swap3A_328], %gather3A_299 {strides = array<i32>} : memref<1024xf32, #tpu.memory_space<vmem>>, vector<16xf32>,
    %swap3A_330 = arith.constant 288 : index
    %swap3A_331 = tpu.vector_load %arg9[%swap3A_330] {strides = array<i32>} : memref<1024xf32, #tpu.memory_space<vmem>>, vector<16xf32>,
    tpu.vector_store %arg9[%swap3A_330], %gather3A_300 {strides = array<i32>} : memref<1024xf32, #tpu.memory_space<vmem>>, vector<16xf32>,
    %swap3A_332 = arith.constant 288 : index
    %swap3A_333 = tpu.vector_load %arg10[%swap3A_332] {strides = array<i32>} : memref<1024xf32, #tpu.memory_space<vmem>>, vector<16xf32>,
    tpu.vector_store %arg10[%swap3A_332], %gather3A_304 {strides = array<i32>} : memref<1024xf32, #tpu.memory_space<vmem>>, vector<16xf32>,
    %swap3A_334 = arith.constant 288 : index
    %swap3A_335 = tpu.vector_load %arg11[%swap3A_334] {strides = array<i32>} : memref<1024xf32, #tpu.memory_space<vmem>>, vector<16xf32>,
    tpu.vector_store %arg11[%swap3A_334], %gather3A_308 {strides = array<i32>} : memref<1024xf32, #tpu.memory_space<vmem>>, vector<16xf32>,
    %swap3A_336 = arith.constant 304 : index
    %swap3A_337 = tpu.vector_load %arg9[%swap3A_336] {strides = array<i32>} : memref<1024xf32, #tpu.memory_space<vmem>>, vector<16xf32>,
    tpu.vector_store %arg9[%swap3A_336], %gather3A_309 {strides = array<i32>} : memref<1024xf32, #tpu.memory_space<vmem>>, vector<16xf32>,
    %swap3A_338 = arith.constant 304 : index
    %swap3A_339 = tpu.vector_load %arg10[%swap3A_338] {strides = array<i32>} : memref<1024xf32, #tpu.memory_space<vmem>>, vector<16xf32>,
    tpu.vector_store %arg10[%swap3A_338], %gather3A_313 {strides = array<i32>} : memref<1024xf32, #tpu.memory_space<vmem>>, vector<16xf32>,
    %swap3A_340 = arith.constant 304 : index
    %swap3A_341 = tpu.vector_load %arg11[%swap3A_340] {strides = array<i32>} : memref<1024xf32, #tpu.memory_space<vmem>>, vector<16xf32>,
    tpu.vector_store %arg11[%swap3A_340], %gather3A_317 {strides = array<i32>} : memref<1024xf32, #tpu.memory_space<vmem>>, vector<16xf32>,
    %get3A_342 = arith.constant 320 : index
    %get3A_343 = tpu.vector_load %arg8[%get3A_342] {strides = array<i32>} : memref<1024xi32, #tpu.memory_space<vmem>>, vector<16xi32>,
    %get3A_344 = arith.constant 336 : index
    %get3A_345 = tpu.vector_load %arg8[%get3A_344] {strides = array<i32>} : memref<1024xi32, #tpu.memory_space<vmem>>, vector<16xi32>,
    %get3A_346 = arith.constant 352 : index
    %get3A_347 = tpu.vector_load %arg8[%get3A_346] {strides = array<i32>} : memref<1024xi32, #tpu.memory_space<vmem>>, vector<16xi32>,
    %get3A_348 = arith.constant 368 : index
    %get3A_349 = tpu.vector_load %arg8[%get3A_348] {strides = array<i32>} : memref<1024xi32, #tpu.memory_space<vmem>>, vector<16xi32>,
    %gather3A_350 = tpu.vector_load_idx %arg7[%get3A_343] : memref<3000xf32, #tpu.memory_space<vmem>>[vector<16xi32>], vector<16xf32>,
    %add3A_351 = arith.constant 1000 : i32
    %add3A_352 = vector.broadcast %add3A_351 : i32 to vector<16xi32>
    %add3A_353 = arith.addi %get3A_343, %add3A_352 : vector<16xi32>
    %gather3A_354 = tpu.vector_load_idx %arg7[%add3A_353] : memref<3000xf32, #tpu.memory_space<vmem>>[vector<16xi32>], vector<16xf32>,
    %add3A_355 = arith.constant 2000 : i32
    %add3A_356 = vector.broadcast %add3A_355 : i32 to vector<16xi32>
    %add3A_357 = arith.addi %get3A_343, %add3A_356 : vector<16xi32>
    %gather3A_358 = tpu.vector_load_idx %arg7[%add3A_357] : memref<3000xf32, #tpu.memory_space<vmem>>[vector<16xi32>], vector<16xf32>,
    %gather3A_359 = tpu.vector_load_idx %arg7[%get3A_345] : memref<3000xf32, #tpu.memory_space<vmem>>[vector<16xi32>], vector<16xf32>,
    %add3A_360 = arith.constant 1000 : i32
    %add3A_361 = vector.broadcast %add3A_360 : i32 to vector<16xi32>
    %add3A_362 = arith.addi %get3A_345, %add3A_361 : vector<16xi32>
    %gather3A_363 = tpu.vector_load_idx %arg7[%add3A_362] : memref<3000xf32, #tpu.memory_space<vmem>>[vector<16xi32>], vector<16xf32>,
    %add3A_364 = arith.constant 2000 : i32
    %add3A_365 = vector.broadcast %add3A_364 : i32 to vector<16xi32>
    %add3A_366 = arith.addi %get3A_345, %add3A_365 : vector<16xi32>
    %gather3A_367 = tpu.vector_load_idx %arg7[%add3A_366] : memref<3000xf32, #tpu.memory_space<vmem>>[vector<16xi32>], vector<16xf32>,
    %gather3A_368 = tpu.vector_load_idx %arg7[%get3A_347] : memref<3000xf32, #tpu.memory_space<vmem>>[vector<16xi32>], vector<16xf32>,
    %add3A_369 = arith.constant 1000 : i32
    %add3A_370 = vector.broadcast %add3A_369 : i32 to vector<16xi32>
    %add3A_371 = arith.addi %get3A_347, %add3A_370 : vector<16xi32>
    %gather3A_372 = tpu.vector_load_idx %arg7[%add3A_371] : memref<3000xf32, #tpu.memory_space<vmem>>[vector<16xi32>], vector<16xf32>,
    %add3A_373 = arith.constant 2000 : i32
    %add3A_374 = vector.broadcast %add3A_373 : i32 to vector<16xi32>
    %add3A_375 = arith.addi %get3A_347, %add3A_374 : vector<16xi32>
    %gather3A_376 = tpu.vector_load_idx %arg7[%add3A_375] : memref<3000xf32, #tpu.memory_space<vmem>>[vector<16xi32>], vector<16xf32>,
    %gather3A_377 = tpu.vector_load_idx %arg7[%get3A_349] : memref<3000xf32, #tpu.memory_space<vmem>>[vector<16xi32>], vector<16xf32>,
    %add3A_378 = arith.constant 1000 : i32
    %add3A_379 = vector.broadcast %add3A_378 : i32 to vector<16xi32>
    %add3A_380 = arith.addi %get3A_349, %add3A_379 : vector<16xi32>
    %gather3A_381 = tpu.vector_load_idx %arg7[%add3A_380] : memref<3000xf32, #tpu.memory_space<vmem>>[vector<16xi32>], vector<16xf32>,
    %add3A_382 = arith.constant 2000 : i32
    %add3A_383 = vector.broadcast %add3A_382 : i32 to vector<16xi32>
    %add3A_384 = arith.addi %get3A_349, %add3A_383 : vector<16xi32>
    %gather3A_385 = tpu.vector_load_idx %arg7[%add3A_384] : memref<3000xf32, #tpu.memory_space<vmem>>[vector<16xi32>], vector<16xf32>,
    %swap3A_386 = arith.constant 320 : index
    %swap3A_387 = tpu.vector_load %arg9[%swap3A_386] {strides = array<i32>} : memref<1024xf32, #tpu.memory_space<vmem>>, vector<16xf32>,
    tpu.vector_store %arg9[%swap3A_386], %gather3A_350 {strides = array<i32>} : memref<1024xf32, #tpu.memory_space<vmem>>, vector<16xf32>,
    %swap3A_388 = arith.constant 320 : index
    %swap3A_389 = tpu.vector_load %arg10[%swap3A_388] {strides = array<i32>} : memref<1024xf32, #tpu.memory_space<vmem>>, vector<16xf32>,
    tpu.vector_store %arg10[%swap3A_388], %gather3A_354 {strides = array<i32>} : memref<1024xf32, #tpu.memory_space<vmem>>, vector<16xf32>,
    %swap3A_390 = arith.constant 320 : index
    %swap3A_391 = tpu.vector_load %arg11[%swap3A_390] {strides = array<i32>} : memref<1024xf32, #tpu.memory_space<vmem>>, vector<16xf32>,
    tpu.vector_store %arg11[%swap3A_390], %gather3A_358 {strides = array<i32>} : memref<1024xf32, #tpu.memory_space<vmem>>, vector<16xf32>,
    %swap3A_392 = arith.constant 336 : index
    %swap3A_393 = tpu.vector_load %arg9[%swap3A_392] {strides = array<i32>} : memref<1024xf32, #tpu.memory_space<vmem>>, vector<16xf32>,
    tpu.vector_store %arg9[%swap3A_392], %gather3A_359 {strides = array<i32>} : memref<1024xf32, #tpu.memory_space<vmem>>, vector<16xf32>,
    %swap3A_394 = arith.constant 336 : index
    %swap3A_395 = tpu.vector_load %arg10[%swap3A_394] {strides = array<i32>} : memref<1024xf32, #tpu.memory_space<vmem>>, vector<16xf32>,
    tpu.vector_store %arg10[%swap3A_394], %gather3A_363 {strides = array<i32>} : memref<1024xf32, #tpu.memory_space<vmem>>, vector<16xf32>,
    %swap3A_396 = arith.constant 336 : index
    %swap3A_397 = tpu.vector_load %arg11[%swap3A_396] {strides = array<i32>} : memref<1024xf32, #tpu.memory_space<vmem>>, vector<16xf32>,
    tpu.vector_store %arg11[%swap3A_396], %gather3A_367 {strides = array<i32>} : memref<1024xf32, #tpu.memory_space<vmem>>, vector<16xf32>,
    %swap3A_398 = arith.constant 352 : index
    %swap3A_399 = tpu.vector_load %arg9[%swap3A_398] {strides = array<i32>} : memref<1024xf32, #tpu.memory_space<vmem>>, vector<16xf32>,
    tpu.vector_store %arg9[%swap3A_398], %gather3A_368 {strides = array<i32>} : memref<1024xf32, #tpu.memory_space<vmem>>, vector<16xf32>,
    %swap3A_400 = arith.constant 352 : index
    %swap3A_401 = tpu.vector_load %arg10[%swap3A_400] {strides = array<i32>} : memref<1024xf32, #tpu.memory_space<vmem>>, vector<16xf32>,
    tpu.vector_store %arg10[%swap3A_400], %gather3A_372 {strides = array<i32>} : memref<1024xf32, #tpu.memory_space<vmem>>, vector<16xf32>,
    %swap3A_402 = arith.constant 352 : index
    %swap3A_403 = tpu.vector_load %arg11[%swap3A_402] {strides = array<i32>} : memref<1024xf32, #tpu.memory_space<vmem>>, vector<16xf32>,
    tpu.vector_store %arg11[%swap3A_402], %gather3A_376 {strides = array<i32>} : memref<1024xf32, #tpu.memory_space<vmem>>, vector<16xf32>,
    %swap3A_404 = arith.constant 368 : index
    %swap3A_405 = tpu.vector_load %arg9[%swap3A_404] {strides = array<i32>} : memref<1024xf32, #tpu.memory_space<vmem>>, vector<16xf32>,
    tpu.vector_store %arg9[%swap3A_404], %gather3A_377 {strides = array<i32>} : memref<1024xf32, #tpu.memory_space<vmem>>, vector<16xf32>,
    %swap3A_406 = arith.constant 368 : index
    %swap3A_407 = tpu.vector_load %arg10[%swap3A_406] {strides = array<i32>} : memref<1024xf32, #tpu.memory_space<vmem>>, vector<16xf32>,
    tpu.vector_store %arg10[%swap3A_406], %gather3A_381 {strides = array<i32>} : memref<1024xf32, #tpu.memory_space<vmem>>, vector<16xf32>,
    %swap3A_408 = arith.constant 368 : index
    %swap3A_409 = tpu.vector_load %arg11[%swap3A_408] {strides = array<i32>} : memref<1024xf32, #tpu.memory_space<vmem>>, vector<16xf32>,
    tpu.vector_store %arg11[%swap3A_408], %gather3A_385 {strides = array<i32>} : memref<1024xf32, #tpu.memory_space<vmem>>, vector<16xf32>,
    %get3A_410 = arith.constant 384 : index
    %get3A_411 = tpu.vector_load %arg8[%get3A_410] {strides = array<i32>} : memref<1024xi32, #tpu.memory_space<vmem>>, vector<16xi32>,
    %get3A_412 = arith.constant 400 : index
    %get3A_413 = tpu.vector_load %arg8[%get3A_412] {strides = array<i32>} : memref<1024xi32, #tpu.memory_space<vmem>>, vector<16xi32>,
    %get3A_414 = arith.constant 416 : index
    %get3A_415 = tpu.vector_load %arg8[%get3A_414] {strides = array<i32>} : memref<1024xi32, #tpu.memory_space<vmem>>, vector<16xi32>,
    %get3A_416 = arith.constant 432 : index
    %get3A_417 = tpu.vector_load %arg8[%get3A_416] {strides = array<i32>} : memref<1024xi32, #tpu.memory_space<vmem>>, vector<16xi32>,
    %gather3A_418 = tpu.vector_load_idx %arg7[%get3A_411] : memref<3000xf32, #tpu.memory_space<vmem>>[vector<16xi32>], vector<16xf32>,
    %add3A_419 = arith.constant 1000 : i32
    %add3A_420 = vector.broadcast %add3A_419 : i32 to vector<16xi32>
    %add3A_421 = arith.addi %get3A_411, %add3A_420 : vector<16xi32>
    %gather3A_422 = tpu.vector_load_idx %arg7[%add3A_421] : memref<3000xf32, #tpu.memory_space<vmem>>[vector<16xi32>], vector<16xf32>,
    %add3A_423 = arith.constant 2000 : i32
    %add3A_424 = vector.broadcast %add3A_423 : i32 to vector<16xi32>
    %add3A_425 = arith.addi %get3A_411, %add3A_424 : vector<16xi32>
    %gather3A_426 = tpu.vector_load_idx %arg7[%add3A_425] : memref<3000xf32, #tpu.memory_space<vmem>>[vector<16xi32>], vector<16xf32>,
    %gather3A_427 = tpu.vector_load_idx %arg7[%get3A_413] : memref<3000xf32, #tpu.memory_space<vmem>>[vector<16xi32>], vector<16xf32>,
    %add3A_428 = arith.constant 1000 : i32
    %add3A_429 = vector.broadcast %add3A_428 : i32 to vector<16xi32>
    %add3A_430 = arith.addi %get3A_413, %add3A_429 : vector<16xi32>
    %gather3A_431 = tpu.vector_load_idx %arg7[%add3A_430] : memref<3000xf32, #tpu.memory_space<vmem>>[vector<16xi32>], vector<16xf32>,
    %add3A_432 = arith.constant 2000 : i32
    %add3A_433 = vector.broadcast %add3A_432 : i32 to vector<16xi32>
    %add3A_434 = arith.addi %get3A_413, %add3A_433 : vector<16xi32>
    %gather3A_435 = tpu.vector_load_idx %arg7[%add3A_434] : memref<3000xf32, #tpu.memory_space<vmem>>[vector<16xi32>], vector<16xf32>,
    %gather3A_436 = tpu.vector_load_idx %arg7[%get3A_415] : memref<3000xf32, #tpu.memory_space<vmem>>[vector<16xi32>], vector<16xf32>,
    %add3A_437 = arith.constant 1000 : i32
    %add3A_438 = vector.broadcast %add3A_437 : i32 to vector<16xi32>
    %add3A_439 = arith.addi %get3A_415, %add3A_438 : vector<16xi32>
    %gather3A_440 = tpu.vector_load_idx %arg7[%add3A_439] : memref<3000xf32, #tpu.memory_space<vmem>>[vector<16xi32>], vector<16xf32>,
    %add3A_441 = arith.constant 2000 : i32
    %add3A_442 = vector.broadcast %add3A_441 : i32 to vector<16xi32>
    %add3A_443 = arith.addi %get3A_415, %add3A_442 : vector<16xi32>
    %gather3A_444 = tpu.vector_load_idx %arg7[%add3A_443] : memref<3000xf32, #tpu.memory_space<vmem>>[vector<16xi32>], vector<16xf32>,
    %gather3A_445 = tpu.vector_load_idx %arg7[%get3A_417] : memref<3000xf32, #tpu.memory_space<vmem>>[vector<16xi32>], vector<16xf32>,
    %add3A_446 = arith.constant 1000 : i32
    %add3A_447 = vector.broadcast %add3A_446 : i32 to vector<16xi32>
    %add3A_448 = arith.addi %get3A_417, %add3A_447 : vector<16xi32>
    %gather3A_449 = tpu.vector_load_idx %arg7[%add3A_448] : memref<3000xf32, #tpu.memory_space<vmem>>[vector<16xi32>], vector<16xf32>,
    %add3A_450 = arith.constant 2000 : i32
    %add3A_451 = vector.broadcast %add3A_450 : i32 to vector<16xi32>
    %add3A_452 = arith.addi %get3A_417, %add3A_451 : vector<16xi32>
    %gather3A_453 = tpu.vector_load_idx %arg7[%add3A_452] : memref<3000xf32, #tpu.memory_space<vmem>>[vector<16xi32>], vector<16xf32>,
    %swap3A_454 = arith.constant 384 : index
    %swap3A_455 = tpu.vector_load %arg9[%swap3A_454] {strides = array<i32>} : memref<1024xf32, #tpu.memory_space<vmem>>, vector<16xf32>,
    tpu.vector_store %arg9[%swap3A_454], %gather3A_418 {strides = array<i32>} : memref<1024xf32, #tpu.memory_space<vmem>>, vector<16xf32>,
    %swap3A_456 = arith.constant 384 : index
    %swap3A_457 = tpu.vector_load %arg10[%swap3A_456] {strides = array<i32>} : memref<1024xf32, #tpu.memory_space<vmem>>, vector<16xf32>,
    tpu.vector_store %arg10[%swap3A_456], %gather3A_422 {strides = array<i32>} : memref<1024xf32, #tpu.memory_space<vmem>>, vector<16xf32>,
    %swap3A_458 = arith.constant 384 : index
    %swap3A_459 = tpu.vector_load %arg11[%swap3A_458] {strides = array<i32>} : memref<1024xf32, #tpu.memory_space<vmem>>, vector<16xf32>,
    tpu.vector_store %arg11[%swap3A_458], %gather3A_426 {strides = array<i32>} : memref<1024xf32, #tpu.memory_space<vmem>>, vector<16xf32>,
    %swap3A_460 = arith.constant 400 : index
    %swap3A_461 = tpu.vector_load %arg9[%swap3A_460] {strides = array<i32>} : memref<1024xf32, #tpu.memory_space<vmem>>, vector<16xf32>,
    tpu.vector_store %arg9[%swap3A_460], %gather3A_427 {strides = array<i32>} : memref<1024xf32, #tpu.memory_space<vmem>>, vector<16xf32>,
    %swap3A_462 = arith.constant 400 : index
    %swap3A_463 = tpu.vector_load %arg10[%swap3A_462] {strides = array<i32>} : memref<1024xf32, #tpu.memory_space<vmem>>, vector<16xf32>,
    tpu.vector_store %arg10[%swap3A_462], %gather3A_431 {strides = array<i32>} : memref<1024xf32, #tpu.memory_space<vmem>>, vector<16xf32>,
    %swap3A_464 = arith.constant 400 : index
    %swap3A_465 = tpu.vector_load %arg11[%swap3A_464] {strides = array<i32>} : memref<1024xf32, #tpu.memory_space<vmem>>, vector<16xf32>,
    tpu.vector_store %arg11[%swap3A_464], %gather3A_435 {strides = array<i32>} : memref<1024xf32, #tpu.memory_space<vmem>>, vector<16xf32>,
    %swap3A_466 = arith.constant 416 : index
    %swap3A_467 = tpu.vector_load %arg9[%swap3A_466] {strides = array<i32>} : memref<1024xf32, #tpu.memory_space<vmem>>, vector<16xf32>,
    tpu.vector_store %arg9[%swap3A_466], %gather3A_436 {strides = array<i32>} : memref<1024xf32, #tpu.memory_space<vmem>>, vector<16xf32>,
    %swap3A_468 = arith.constant 416 : index
    %swap3A_469 = tpu.vector_load %arg10[%swap3A_468] {strides = array<i32>} : memref<1024xf32, #tpu.memory_space<vmem>>, vector<16xf32>,
    tpu.vector_store %arg10[%swap3A_468], %gather3A_440 {strides = array<i32>} : memref<1024xf32, #tpu.memory_space<vmem>>, vector<16xf32>,
    %swap3A_470 = arith.constant 416 : index
    %swap3A_471 = tpu.vector_load %arg11[%swap3A_470] {strides = array<i32>} : memref<1024xf32, #tpu.memory_space<vmem>>, vector<16xf32>,
    tpu.vector_store %arg11[%swap3A_470], %gather3A_444 {strides = array<i32>} : memref<1024xf32, #tpu.memory_space<vmem>>, vector<16xf32>,
    %swap3A_472 = arith.constant 432 : index
    %swap3A_473 = tpu.vector_load %arg9[%swap3A_472] {strides = array<i32>} : memref<1024xf32, #tpu.memory_space<vmem>>, vector<16xf32>,
    tpu.vector_store %arg9[%swap3A_472], %gather3A_445 {strides = array<i32>} : memref<1024xf32, #tpu.memory_space<vmem>>, vector<16xf32>,
    %swap3A_474 = arith.constant 432 : index
    %swap3A_475 = tpu.vector_load %arg10[%swap3A_474] {strides = array<i32>} : memref<1024xf32, #tpu.memory_space<vmem>>, vector<16xf32>,
    tpu.vector_store %arg10[%swap3A_474], %gather3A_449 {strides = array<i32>} : memref<1024xf32, #tpu.memory_space<vmem>>, vector<16xf32>,
    %swap3A_476 = arith.constant 432 : index
    %swap3A_477 = tpu.vector_load %arg11[%swap3A_476] {strides = array<i32>} : memref<1024xf32, #tpu.memory_space<vmem>>, vector<16xf32>,
    tpu.vector_store %arg11[%swap3A_476], %gather3A_453 {strides = array<i32>} : memref<1024xf32, #tpu.memory_space<vmem>>, vector<16xf32>,
    %get3A_478 = arith.constant 448 : index
    %get3A_479 = tpu.vector_load %arg8[%get3A_478] {strides = array<i32>} : memref<1024xi32, #tpu.memory_space<vmem>>, vector<16xi32>,
    %get3A_480 = arith.constant 464 : index
    %get3A_481 = tpu.vector_load %arg8[%get3A_480] {strides = array<i32>} : memref<1024xi32, #tpu.memory_space<vmem>>, vector<16xi32>,
    %get3A_482 = arith.constant 480 : index
    %get3A_483 = tpu.vector_load %arg8[%get3A_482] {strides = array<i32>} : memref<1024xi32, #tpu.memory_space<vmem>>, vector<16xi32>,
    %get3A_484 = arith.constant 496 : index
    %get3A_485 = tpu.vector_load %arg8[%get3A_484] {strides = array<i32>} : memref<1024xi32, #tpu.memory_space<vmem>>, vector<16xi32>,
    %gather3A_486 = tpu.vector_load_idx %arg7[%get3A_479] : memref<3000xf32, #tpu.memory_space<vmem>>[vector<16xi32>], vector<16xf32>,
    %add3A_487 = arith.constant 1000 : i32
    %add3A_488 = vector.broadcast %add3A_487 : i32 to vector<16xi32>
    %add3A_489 = arith.addi %get3A_479, %add3A_488 : vector<16xi32>
    %gather3A_490 = tpu.vector_load_idx %arg7[%add3A_489] : memref<3000xf32, #tpu.memory_space<vmem>>[vector<16xi32>], vector<16xf32>,
    %add3A_491 = arith.constant 2000 : i32
    %add3A_492 = vector.broadcast %add3A_491 : i32 to vector<16xi32>
    %add3A_493 = arith.addi %get3A_479, %add3A_492 : vector<16xi32>
    %gather3A_494 = tpu.vector_load_idx %arg7[%add3A_493] : memref<3000xf32, #tpu.memory_space<vmem>>[vector<16xi32>], vector<16xf32>,
    %gather3A_495 = tpu.vector_load_idx %arg7[%get3A_481] : memref<3000xf32, #tpu.memory_space<vmem>>[vector<16xi32>], vector<16xf32>,
    %add3A_496 = arith.constant 1000 : i32
    %add3A_497 = vector.broadcast %add3A_496 : i32 to vector<16xi32>
    %add3A_498 = arith.addi %get3A_481, %add3A_497 : vector<16xi32>
    %gather3A_499 = tpu.vector_load_idx %arg7[%add3A_498] : memref<3000xf32, #tpu.memory_space<vmem>>[vector<16xi32>], vector<16xf32>,
    %add3A_500 = arith.constant 2000 : i32
    %add3A_501 = vector.broadcast %add3A_500 : i32 to vector<16xi32>
    %add3A_502 = arith.addi %get3A_481, %add3A_501 : vector<16xi32>
    %gather3A_503 = tpu.vector_load_idx %arg7[%add3A_502] : memref<3000xf32, #tpu.memory_space<vmem>>[vector<16xi32>], vector<16xf32>,
    %gather3A_504 = tpu.vector_load_idx %arg7[%get3A_483] : memref<3000xf32, #tpu.memory_space<vmem>>[vector<16xi32>], vector<16xf32>,
    %add3A_505 = arith.constant 1000 : i32
    %add3A_506 = vector.broadcast %add3A_505 : i32 to vector<16xi32>
    %add3A_507 = arith.addi %get3A_483, %add3A_506 : vector<16xi32>
    %gather3A_508 = tpu.vector_load_idx %arg7[%add3A_507] : memref<3000xf32, #tpu.memory_space<vmem>>[vector<16xi32>], vector<16xf32>,
    %add3A_509 = arith.constant 2000 : i32
    %add3A_510 = vector.broadcast %add3A_509 : i32 to vector<16xi32>
    %add3A_511 = arith.addi %get3A_483, %add3A_510 : vector<16xi32>
    %gather3A_512 = tpu.vector_load_idx %arg7[%add3A_511] : memref<3000xf32, #tpu.memory_space<vmem>>[vector<16xi32>], vector<16xf32>,
    %gather3A_513 = tpu.vector_load_idx %arg7[%get3A_485] : memref<3000xf32, #tpu.memory_space<vmem>>[vector<16xi32>], vector<16xf32>,
    %add3A_514 = arith.constant 1000 : i32
    %add3A_515 = vector.broadcast %add3A_514 : i32 to vector<16xi32>
    %add3A_516 = arith.addi %get3A_485, %add3A_515 : vector<16xi32>
    %gather3A_517 = tpu.vector_load_idx %arg7[%add3A_516] : memref<3000xf32, #tpu.memory_space<vmem>>[vector<16xi32>], vector<16xf32>,
    %add3A_518 = arith.constant 2000 : i32
    %add3A_519 = vector.broadcast %add3A_518 : i32 to vector<16xi32>
    %add3A_520 = arith.addi %get3A_485, %add3A_519 : vector<16xi32>
    %gather3A_521 = tpu.vector_load_idx %arg7[%add3A_520] : memref<3000xf32, #tpu.memory_space<vmem>>[vector<16xi32>], vector<16xf32>,
    %swap3A_522 = arith.constant 448 : index
    %swap3A_523 = tpu.vector_load %arg9[%swap3A_522] {strides = array<i32>} : memref<1024xf32, #tpu.memory_space<vmem>>, vector<16xf32>,
    tpu.vector_store %arg9[%swap3A_522], %gather3A_486 {strides = array<i32>} : memref<1024xf32, #tpu.memory_space<vmem>>, vector<16xf32>,
    %swap3A_524 = arith.constant 448 : index
    %swap3A_525 = tpu.vector_load %arg10[%swap3A_524] {strides = array<i32>} : memref<1024xf32, #tpu.memory_space<vmem>>, vector<16xf32>,
    tpu.vector_store %arg10[%swap3A_524], %gather3A_490 {strides = array<i32>} : memref<1024xf32, #tpu.memory_space<vmem>>, vector<16xf32>,
    %swap3A_526 = arith.constant 448 : index
    %swap3A_527 = tpu.vector_load %arg11[%swap3A_526] {strides = array<i32>} : memref<1024xf32, #tpu.memory_space<vmem>>, vector<16xf32>,
    tpu.vector_store %arg11[%swap3A_526], %gather3A_494 {strides = array<i32>} : memref<1024xf32, #tpu.memory_space<vmem>>, vector<16xf32>,
    %swap3A_528 = arith.constant 464 : index
    %swap3A_529 = tpu.vector_load %arg9[%swap3A_528] {strides = array<i32>} : memref<1024xf32, #tpu.memory_space<vmem>>, vector<16xf32>,
    tpu.vector_store %arg9[%swap3A_528], %gather3A_495 {strides = array<i32>} : memref<1024xf32, #tpu.memory_space<vmem>>, vector<16xf32>,
    %swap3A_530 = arith.constant 464 : index
    %swap3A_531 = tpu.vector_load %arg10[%swap3A_530] {strides = array<i32>} : memref<1024xf32, #tpu.memory_space<vmem>>, vector<16xf32>,
    tpu.vector_store %arg10[%swap3A_530], %gather3A_499 {strides = array<i32>} : memref<1024xf32, #tpu.memory_space<vmem>>, vector<16xf32>,
    %swap3A_532 = arith.constant 464 : index
    %swap3A_533 = tpu.vector_load %arg11[%swap3A_532] {strides = array<i32>} : memref<1024xf32, #tpu.memory_space<vmem>>, vector<16xf32>,
    tpu.vector_store %arg11[%swap3A_532], %gather3A_503 {strides = array<i32>} : memref<1024xf32, #tpu.memory_space<vmem>>, vector<16xf32>,
    %swap3A_534 = arith.constant 480 : index
    %swap3A_535 = tpu.vector_load %arg9[%swap3A_534] {strides = array<i32>} : memref<1024xf32, #tpu.memory_space<vmem>>, vector<16xf32>,
    tpu.vector_store %arg9[%swap3A_534], %gather3A_504 {strides = array<i32>} : memref<1024xf32, #tpu.memory_space<vmem>>, vector<16xf32>,
    %swap3A_536 = arith.constant 480 : index
    %swap3A_537 = tpu.vector_load %arg10[%swap3A_536] {strides = array<i32>} : memref<1024xf32, #tpu.memory_space<vmem>>, vector<16xf32>,
    tpu.vector_store %arg10[%swap3A_536], %gather3A_508 {strides = array<i32>} : memref<1024xf32, #tpu.memory_space<vmem>>, vector<16xf32>,
    %swap3A_538 = arith.constant 480 : index
    %swap3A_539 = tpu.vector_load %arg11[%swap3A_538] {strides = array<i32>} : memref<1024xf32, #tpu.memory_space<vmem>>, vector<16xf32>,
    tpu.vector_store %arg11[%swap3A_538], %gather3A_512 {strides = array<i32>} : memref<1024xf32, #tpu.memory_space<vmem>>, vector<16xf32>,
    %swap3A_540 = arith.constant 496 : index
    %swap3A_541 = tpu.vector_load %arg9[%swap3A_540] {strides = array<i32>} : memref<1024xf32, #tpu.memory_space<vmem>>, vector<16xf32>,
    tpu.vector_store %arg9[%swap3A_540], %gather3A_513 {strides = array<i32>} : memref<1024xf32, #tpu.memory_space<vmem>>, vector<16xf32>,
    %swap3A_542 = arith.constant 496 : index
    %swap3A_543 = tpu.vector_load %arg10[%swap3A_542] {strides = array<i32>} : memref<1024xf32, #tpu.memory_space<vmem>>, vector<16xf32>,
    tpu.vector_store %arg10[%swap3A_542], %gather3A_517 {strides = array<i32>} : memref<1024xf32, #tpu.memory_space<vmem>>, vector<16xf32>,
    %swap3A_544 = arith.constant 496 : index
    %swap3A_545 = tpu.vector_load %arg11[%swap3A_544] {strides = array<i32>} : memref<1024xf32, #tpu.memory_space<vmem>>, vector<16xf32>,
    tpu.vector_store %arg11[%swap3A_544], %gather3A_521 {strides = array<i32>} : memref<1024xf32, #tpu.memory_space<vmem>>, vector<16xf32>,
    %get3A_546 = arith.constant 512 : index
    %get3A_547 = tpu.vector_load %arg8[%get3A_546] {strides = array<i32>} : memref<1024xi32, #tpu.memory_space<vmem>>, vector<16xi32>,
    %get3A_548 = arith.constant 528 : index
    %get3A_549 = tpu.vector_load %arg8[%get3A_548] {strides = array<i32>} : memref<1024xi32, #tpu.memory_space<vmem>>, vector<16xi32>,
    %get3A_550 = arith.constant 544 : index
    %get3A_551 = tpu.vector_load %arg8[%get3A_550] {strides = array<i32>} : memref<1024xi32, #tpu.memory_space<vmem>>, vector<16xi32>,
    %get3A_552 = arith.constant 560 : index
    %get3A_553 = tpu.vector_load %arg8[%get3A_552] {strides = array<i32>} : memref<1024xi32, #tpu.memory_space<vmem>>, vector<16xi32>,
    %gather3A_554 = tpu.vector_load_idx %arg7[%get3A_547] : memref<3000xf32, #tpu.memory_space<vmem>>[vector<16xi32>], vector<16xf32>,
    %add3A_555 = arith.constant 1000 : i32
    %add3A_556 = vector.broadcast %add3A_555 : i32 to vector<16xi32>
    %add3A_557 = arith.addi %get3A_547, %add3A_556 : vector<16xi32>
    %gather3A_558 = tpu.vector_load_idx %arg7[%add3A_557] : memref<3000xf32, #tpu.memory_space<vmem>>[vector<16xi32>], vector<16xf32>,
    %add3A_559 = arith.constant 2000 : i32
    %add3A_560 = vector.broadcast %add3A_559 : i32 to vector<16xi32>
    %add3A_561 = arith.addi %get3A_547, %add3A_560 : vector<16xi32>
    %gather3A_562 = tpu.vector_load_idx %arg7[%add3A_561] : memref<3000xf32, #tpu.memory_space<vmem>>[vector<16xi32>], vector<16xf32>,
    %gather3A_563 = tpu.vector_load_idx %arg7[%get3A_549] : memref<3000xf32, #tpu.memory_space<vmem>>[vector<16xi32>], vector<16xf32>,
    %add3A_564 = arith.constant 1000 : i32
    %add3A_565 = vector.broadcast %add3A_564 : i32 to vector<16xi32>
    %add3A_566 = arith.addi %get3A_549, %add3A_565 : vector<16xi32>
    %gather3A_567 = tpu.vector_load_idx %arg7[%add3A_566] : memref<3000xf32, #tpu.memory_space<vmem>>[vector<16xi32>], vector<16xf32>,
    %add3A_568 = arith.constant 2000 : i32
    %add3A_569 = vector.broadcast %add3A_568 : i32 to vector<16xi32>
    %add3A_570 = arith.addi %get3A_549, %add3A_569 : vector<16xi32>
    %gather3A_571 = tpu.vector_load_idx %arg7[%add3A_570] : memref<3000xf32, #tpu.memory_space<vmem>>[vector<16xi32>], vector<16xf32>,
    %gather3A_572 = tpu.vector_load_idx %arg7[%get3A_551] : memref<3000xf32, #tpu.memory_space<vmem>>[vector<16xi32>], vector<16xf32>,
    %add3A_573 = arith.constant 1000 : i32
    %add3A_574 = vector.broadcast %add3A_573 : i32 to vector<16xi32>
    %add3A_575 = arith.addi %get3A_551, %add3A_574 : vector<16xi32>
    %gather3A_576 = tpu.vector_load_idx %arg7[%add3A_575] : memref<3000xf32, #tpu.memory_space<vmem>>[vector<16xi32>], vector<16xf32>,
    %add3A_577 = arith.constant 2000 : i32
    %add3A_578 = vector.broadcast %add3A_577 : i32 to vector<16xi32>
    %add3A_579 = arith.addi %get3A_551, %add3A_578 : vector<16xi32>
    %gather3A_580 = tpu.vector_load_idx %arg7[%add3A_579] : memref<3000xf32, #tpu.memory_space<vmem>>[vector<16xi32>], vector<16xf32>,
    %gather3A_581 = tpu.vector_load_idx %arg7[%get3A_553] : memref<3000xf32, #tpu.memory_space<vmem>>[vector<16xi32>], vector<16xf32>,
    %add3A_582 = arith.constant 1000 : i32
    %add3A_583 = vector.broadcast %add3A_582 : i32 to vector<16xi32>
    %add3A_584 = arith.addi %get3A_553, %add3A_583 : vector<16xi32>
    %gather3A_585 = tpu.vector_load_idx %arg7[%add3A_584] : memref<3000xf32, #tpu.memory_space<vmem>>[vector<16xi32>], vector<16xf32>,
    %add3A_586 = arith.constant 2000 : i32
    %add3A_587 = vector.broadcast %add3A_586 : i32 to vector<16xi32>
    %add3A_588 = arith.addi %get3A_553, %add3A_587 : vector<16xi32>
    %gather3A_589 = tpu.vector_load_idx %arg7[%add3A_588] : memref<3000xf32, #tpu.memory_space<vmem>>[vector<16xi32>], vector<16xf32>,
    %swap3A_590 = arith.constant 512 : index
    %swap3A_591 = tpu.vector_load %arg9[%swap3A_590] {strides = array<i32>} : memref<1024xf32, #tpu.memory_space<vmem>>, vector<16xf32>,
    tpu.vector_store %arg9[%swap3A_590], %gather3A_554 {strides = array<i32>} : memref<1024xf32, #tpu.memory_space<vmem>>, vector<16xf32>,
    %swap3A_592 = arith.constant 512 : index
    %swap3A_593 = tpu.vector_load %arg10[%swap3A_592] {strides = array<i32>} : memref<1024xf32, #tpu.memory_space<vmem>>, vector<16xf32>,
    tpu.vector_store %arg10[%swap3A_592], %gather3A_558 {strides = array<i32>} : memref<1024xf32, #tpu.memory_space<vmem>>, vector<16xf32>,
    %swap3A_594 = arith.constant 512 : index
    %swap3A_595 = tpu.vector_load %arg11[%swap3A_594] {strides = array<i32>} : memref<1024xf32, #tpu.memory_space<vmem>>, vector<16xf32>,
    tpu.vector_store %arg11[%swap3A_594], %gather3A_562 {strides = array<i32>} : memref<1024xf32, #tpu.memory_space<vmem>>, vector<16xf32>,
    %swap3A_596 = arith.constant 528 : index
    %swap3A_597 = tpu.vector_load %arg9[%swap3A_596] {strides = array<i32>} : memref<1024xf32, #tpu.memory_space<vmem>>, vector<16xf32>,
    tpu.vector_store %arg9[%swap3A_596], %gather3A_563 {strides = array<i32>} : memref<1024xf32, #tpu.memory_space<vmem>>, vector<16xf32>,
    %swap3A_598 = arith.constant 528 : index
    %swap3A_599 = tpu.vector_load %arg10[%swap3A_598] {strides = array<i32>} : memref<1024xf32, #tpu.memory_space<vmem>>, vector<16xf32>,
    tpu.vector_store %arg10[%swap3A_598], %gather3A_567 {strides = array<i32>} : memref<1024xf32, #tpu.memory_space<vmem>>, vector<16xf32>,
    %swap3A_600 = arith.constant 528 : index
    %swap3A_601 = tpu.vector_load %arg11[%swap3A_600] {strides = array<i32>} : memref<1024xf32, #tpu.memory_space<vmem>>, vector<16xf32>,
    tpu.vector_store %arg11[%swap3A_600], %gather3A_571 {strides = array<i32>} : memref<1024xf32, #tpu.memory_space<vmem>>, vector<16xf32>,
    %swap3A_602 = arith.constant 544 : index
    %swap3A_603 = tpu.vector_load %arg9[%swap3A_602] {strides = array<i32>} : memref<1024xf32, #tpu.memory_space<vmem>>, vector<16xf32>,
    tpu.vector_store %arg9[%swap3A_602], %gather3A_572 {strides = array<i32>} : memref<1024xf32, #tpu.memory_space<vmem>>, vector<16xf32>,
    %swap3A_604 = arith.constant 544 : index
    %swap3A_605 = tpu.vector_load %arg10[%swap3A_604] {strides = array<i32>} : memref<1024xf32, #tpu.memory_space<vmem>>, vector<16xf32>,
    tpu.vector_store %arg10[%swap3A_604], %gather3A_576 {strides = array<i32>} : memref<1024xf32, #tpu.memory_space<vmem>>, vector<16xf32>,
    %swap3A_606 = arith.constant 544 : index
    %swap3A_607 = tpu.vector_load %arg11[%swap3A_606] {strides = array<i32>} : memref<1024xf32, #tpu.memory_space<vmem>>, vector<16xf32>,
    tpu.vector_store %arg11[%swap3A_606], %gather3A_580 {strides = array<i32>} : memref<1024xf32, #tpu.memory_space<vmem>>, vector<16xf32>,
    %swap3A_608 = arith.constant 560 : index
    %swap3A_609 = tpu.vector_load %arg9[%swap3A_608] {strides = array<i32>} : memref<1024xf32, #tpu.memory_space<vmem>>, vector<16xf32>,
    tpu.vector_store %arg9[%swap3A_608], %gather3A_581 {strides = array<i32>} : memref<1024xf32, #tpu.memory_space<vmem>>, vector<16xf32>,
    %swap3A_610 = arith.constant 560 : index
    %swap3A_611 = tpu.vector_load %arg10[%swap3A_610] {strides = array<i32>} : memref<1024xf32, #tpu.memory_space<vmem>>, vector<16xf32>,
    tpu.vector_store %arg10[%swap3A_610], %gather3A_585 {strides = array<i32>} : memref<1024xf32, #tpu.memory_space<vmem>>, vector<16xf32>,
    %swap3A_612 = arith.constant 560 : index
    %swap3A_613 = tpu.vector_load %arg11[%swap3A_612] {strides = array<i32>} : memref<1024xf32, #tpu.memory_space<vmem>>, vector<16xf32>,
    tpu.vector_store %arg11[%swap3A_612], %gather3A_589 {strides = array<i32>} : memref<1024xf32, #tpu.memory_space<vmem>>, vector<16xf32>,
    %get3A_614 = arith.constant 576 : index
    %get3A_615 = tpu.vector_load %arg8[%get3A_614] {strides = array<i32>} : memref<1024xi32, #tpu.memory_space<vmem>>, vector<16xi32>,
    %get3A_616 = arith.constant 592 : index
    %get3A_617 = tpu.vector_load %arg8[%get3A_616] {strides = array<i32>} : memref<1024xi32, #tpu.memory_space<vmem>>, vector<16xi32>,
    %get3A_618 = arith.constant 608 : index
    %get3A_619 = tpu.vector_load %arg8[%get3A_618] {strides = array<i32>} : memref<1024xi32, #tpu.memory_space<vmem>>, vector<16xi32>,
    %get3A_620 = arith.constant 624 : index
    %get3A_621 = tpu.vector_load %arg8[%get3A_620] {strides = array<i32>} : memref<1024xi32, #tpu.memory_space<vmem>>, vector<16xi32>,
    %gather3A_622 = tpu.vector_load_idx %arg7[%get3A_615] : memref<3000xf32, #tpu.memory_space<vmem>>[vector<16xi32>], vector<16xf32>,
    %add3A_623 = arith.constant 1000 : i32
    %add3A_624 = vector.broadcast %add3A_623 : i32 to vector<16xi32>
    %add3A_625 = arith.addi %get3A_615, %add3A_624 : vector<16xi32>
    %gather3A_626 = tpu.vector_load_idx %arg7[%add3A_625] : memref<3000xf32, #tpu.memory_space<vmem>>[vector<16xi32>], vector<16xf32>,
    %add3A_627 = arith.constant 2000 : i32
    %add3A_628 = vector.broadcast %add3A_627 : i32 to vector<16xi32>
    %add3A_629 = arith.addi %get3A_615, %add3A_628 : vector<16xi32>
    %gather3A_630 = tpu.vector_load_idx %arg7[%add3A_629] : memref<3000xf32, #tpu.memory_space<vmem>>[vector<16xi32>], vector<16xf32>,
    %gather3A_631 = tpu.vector_load_idx %arg7[%get3A_617] : memref<3000xf32, #tpu.memory_space<vmem>>[vector<16xi32>], vector<16xf32>,
    %add3A_632 = arith.constant 1000 : i32
    %add3A_633 = vector.broadcast %add3A_632 : i32 to vector<16xi32>
    %add3A_634 = arith.addi %get3A_617, %add3A_633 : vector<16xi32>
    %gather3A_635 = tpu.vector_load_idx %arg7[%add3A_634] : memref<3000xf32, #tpu.memory_space<vmem>>[vector<16xi32>], vector<16xf32>,
    %add3A_636 = arith.constant 2000 : i32
    %add3A_637 = vector.broadcast %add3A_636 : i32 to vector<16xi32>
    %add3A_638 = arith.addi %get3A_617, %add3A_637 : vector<16xi32>
    %gather3A_639 = tpu.vector_load_idx %arg7[%add3A_638] : memref<3000xf32, #tpu.memory_space<vmem>>[vector<16xi32>], vector<16xf32>,
    %gather3A_640 = tpu.vector_load_idx %arg7[%get3A_619] : memref<3000xf32, #tpu.memory_space<vmem>>[vector<16xi32>], vector<16xf32>,
    %add3A_641 = arith.constant 1000 : i32
    %add3A_642 = vector.broadcast %add3A_641 : i32 to vector<16xi32>
    %add3A_643 = arith.addi %get3A_619, %add3A_642 : vector<16xi32>
    %gather3A_644 = tpu.vector_load_idx %arg7[%add3A_643] : memref<3000xf32, #tpu.memory_space<vmem>>[vector<16xi32>], vector<16xf32>,
    %add3A_645 = arith.constant 2000 : i32
    %add3A_646 = vector.broadcast %add3A_645 : i32 to vector<16xi32>
    %add3A_647 = arith.addi %get3A_619, %add3A_646 : vector<16xi32>
    %gather3A_648 = tpu.vector_load_idx %arg7[%add3A_647] : memref<3000xf32, #tpu.memory_space<vmem>>[vector<16xi32>], vector<16xf32>,
    %gather3A_649 = tpu.vector_load_idx %arg7[%get3A_621] : memref<3000xf32, #tpu.memory_space<vmem>>[vector<16xi32>], vector<16xf32>,
    %add3A_650 = arith.constant 1000 : i32
    %add3A_651 = vector.broadcast %add3A_650 : i32 to vector<16xi32>
    %add3A_652 = arith.addi %get3A_621, %add3A_651 : vector<16xi32>
    %gather3A_653 = tpu.vector_load_idx %arg7[%add3A_652] : memref<3000xf32, #tpu.memory_space<vmem>>[vector<16xi32>], vector<16xf32>,
    %add3A_654 = arith.constant 2000 : i32
    %add3A_655 = vector.broadcast %add3A_654 : i32 to vector<16xi32>
    %add3A_656 = arith.addi %get3A_621, %add3A_655 : vector<16xi32>
    %gather3A_657 = tpu.vector_load_idx %arg7[%add3A_656] : memref<3000xf32, #tpu.memory_space<vmem>>[vector<16xi32>], vector<16xf32>,
    %swap3A_658 = arith.constant 576 : index
    %swap3A_659 = tpu.vector_load %arg9[%swap3A_658] {strides = array<i32>} : memref<1024xf32, #tpu.memory_space<vmem>>, vector<16xf32>,
    tpu.vector_store %arg9[%swap3A_658], %gather3A_622 {strides = array<i32>} : memref<1024xf32, #tpu.memory_space<vmem>>, vector<16xf32>,
    %swap3A_660 = arith.constant 576 : index
    %swap3A_661 = tpu.vector_load %arg10[%swap3A_660] {strides = array<i32>} : memref<1024xf32, #tpu.memory_space<vmem>>, vector<16xf32>,
    tpu.vector_store %arg10[%swap3A_660], %gather3A_626 {strides = array<i32>} : memref<1024xf32, #tpu.memory_space<vmem>>, vector<16xf32>,
    %swap3A_662 = arith.constant 576 : index
    %swap3A_663 = tpu.vector_load %arg11[%swap3A_662] {strides = array<i32>} : memref<1024xf32, #tpu.memory_space<vmem>>, vector<16xf32>,
    tpu.vector_store %arg11[%swap3A_662], %gather3A_630 {strides = array<i32>} : memref<1024xf32, #tpu.memory_space<vmem>>, vector<16xf32>,
    %swap3A_664 = arith.constant 592 : index
    %swap3A_665 = tpu.vector_load %arg9[%swap3A_664] {strides = array<i32>} : memref<1024xf32, #tpu.memory_space<vmem>>, vector<16xf32>,
    tpu.vector_store %arg9[%swap3A_664], %gather3A_631 {strides = array<i32>} : memref<1024xf32, #tpu.memory_space<vmem>>, vector<16xf32>,
    %swap3A_666 = arith.constant 592 : index
    %swap3A_667 = tpu.vector_load %arg10[%swap3A_666] {strides = array<i32>} : memref<1024xf32, #tpu.memory_space<vmem>>, vector<16xf32>,
    tpu.vector_store %arg10[%swap3A_666], %gather3A_635 {strides = array<i32>} : memref<1024xf32, #tpu.memory_space<vmem>>, vector<16xf32>,
    %swap3A_668 = arith.constant 592 : index
    %swap3A_669 = tpu.vector_load %arg11[%swap3A_668] {strides = array<i32>} : memref<1024xf32, #tpu.memory_space<vmem>>, vector<16xf32>,
    tpu.vector_store %arg11[%swap3A_668], %gather3A_639 {strides = array<i32>} : memref<1024xf32, #tpu.memory_space<vmem>>, vector<16xf32>,
    %swap3A_670 = arith.constant 608 : index
    %swap3A_671 = tpu.vector_load %arg9[%swap3A_670] {strides = array<i32>} : memref<1024xf32, #tpu.memory_space<vmem>>, vector<16xf32>,
    tpu.vector_store %arg9[%swap3A_670], %gather3A_640 {strides = array<i32>} : memref<1024xf32, #tpu.memory_space<vmem>>, vector<16xf32>,
    %swap3A_672 = arith.constant 608 : index
    %swap3A_673 = tpu.vector_load %arg10[%swap3A_672] {strides = array<i32>} : memref<1024xf32, #tpu.memory_space<vmem>>, vector<16xf32>,
    tpu.vector_store %arg10[%swap3A_672], %gather3A_644 {strides = array<i32>} : memref<1024xf32, #tpu.memory_space<vmem>>, vector<16xf32>,
    %swap3A_674 = arith.constant 608 : index
    %swap3A_675 = tpu.vector_load %arg11[%swap3A_674] {strides = array<i32>} : memref<1024xf32, #tpu.memory_space<vmem>>, vector<16xf32>,
    tpu.vector_store %arg11[%swap3A_674], %gather3A_648 {strides = array<i32>} : memref<1024xf32, #tpu.memory_space<vmem>>, vector<16xf32>,
    %swap3A_676 = arith.constant 624 : index
    %swap3A_677 = tpu.vector_load %arg9[%swap3A_676] {strides = array<i32>} : memref<1024xf32, #tpu.memory_space<vmem>>, vector<16xf32>,
    tpu.vector_store %arg9[%swap3A_676], %gather3A_649 {strides = array<i32>} : memref<1024xf32, #tpu.memory_space<vmem>>, vector<16xf32>,
    %swap3A_678 = arith.constant 624 : index
    %swap3A_679 = tpu.vector_load %arg10[%swap3A_678] {strides = array<i32>} : memref<1024xf32, #tpu.memory_space<vmem>>, vector<16xf32>,
    tpu.vector_store %arg10[%swap3A_678], %gather3A_653 {strides = array<i32>} : memref<1024xf32, #tpu.memory_space<vmem>>, vector<16xf32>,
    %swap3A_680 = arith.constant 624 : index
    %swap3A_681 = tpu.vector_load %arg11[%swap3A_680] {strides = array<i32>} : memref<1024xf32, #tpu.memory_space<vmem>>, vector<16xf32>,
    tpu.vector_store %arg11[%swap3A_680], %gather3A_657 {strides = array<i32>} : memref<1024xf32, #tpu.memory_space<vmem>>, vector<16xf32>,
    %get3A_682 = arith.constant 640 : index
    %get3A_683 = tpu.vector_load %arg8[%get3A_682] {strides = array<i32>} : memref<1024xi32, #tpu.memory_space<vmem>>, vector<16xi32>,
    %get3A_684 = arith.constant 656 : index
    %get3A_685 = tpu.vector_load %arg8[%get3A_684] {strides = array<i32>} : memref<1024xi32, #tpu.memory_space<vmem>>, vector<16xi32>,
    %get3A_686 = arith.constant 672 : index
    %get3A_687 = tpu.vector_load %arg8[%get3A_686] {strides = array<i32>} : memref<1024xi32, #tpu.memory_space<vmem>>, vector<16xi32>,
    %get3A_688 = arith.constant 688 : index
    %get3A_689 = tpu.vector_load %arg8[%get3A_688] {strides = array<i32>} : memref<1024xi32, #tpu.memory_space<vmem>>, vector<16xi32>,
    %gather3A_690 = tpu.vector_load_idx %arg7[%get3A_683] : memref<3000xf32, #tpu.memory_space<vmem>>[vector<16xi32>], vector<16xf32>,
    %add3A_691 = arith.constant 1000 : i32
    %add3A_692 = vector.broadcast %add3A_691 : i32 to vector<16xi32>
    %add3A_693 = arith.addi %get3A_683, %add3A_692 : vector<16xi32>
    %gather3A_694 = tpu.vector_load_idx %arg7[%add3A_693] : memref<3000xf32, #tpu.memory_space<vmem>>[vector<16xi32>], vector<16xf32>,
    %add3A_695 = arith.constant 2000 : i32
    %add3A_696 = vector.broadcast %add3A_695 : i32 to vector<16xi32>
    %add3A_697 = arith.addi %get3A_683, %add3A_696 : vector<16xi32>
    %gather3A_698 = tpu.vector_load_idx %arg7[%add3A_697] : memref<3000xf32, #tpu.memory_space<vmem>>[vector<16xi32>], vector<16xf32>,
    %gather3A_699 = tpu.vector_load_idx %arg7[%get3A_685] : memref<3000xf32, #tpu.memory_space<vmem>>[vector<16xi32>], vector<16xf32>,
    %add3A_700 = arith.constant 1000 : i32
    %add3A_701 = vector.broadcast %add3A_700 : i32 to vector<16xi32>
    %add3A_702 = arith.addi %get3A_685, %add3A_701 : vector<16xi32>
    %gather3A_703 = tpu.vector_load_idx %arg7[%add3A_702] : memref<3000xf32, #tpu.memory_space<vmem>>[vector<16xi32>], vector<16xf32>,
    %add3A_704 = arith.constant 2000 : i32
    %add3A_705 = vector.broadcast %add3A_704 : i32 to vector<16xi32>
    %add3A_706 = arith.addi %get3A_685, %add3A_705 : vector<16xi32>
    %gather3A_707 = tpu.vector_load_idx %arg7[%add3A_706] : memref<3000xf32, #tpu.memory_space<vmem>>[vector<16xi32>], vector<16xf32>,
    %gather3A_708 = tpu.vector_load_idx %arg7[%get3A_687] : memref<3000xf32, #tpu.memory_space<vmem>>[vector<16xi32>], vector<16xf32>,
    %add3A_709 = arith.constant 1000 : i32
    %add3A_710 = vector.broadcast %add3A_709 : i32 to vector<16xi32>
    %add3A_711 = arith.addi %get3A_687, %add3A_710 : vector<16xi32>
    %gather3A_712 = tpu.vector_load_idx %arg7[%add3A_711] : memref<3000xf32, #tpu.memory_space<vmem>>[vector<16xi32>], vector<16xf32>,
    %add3A_713 = arith.constant 2000 : i32
    %add3A_714 = vector.broadcast %add3A_713 : i32 to vector<16xi32>
    %add3A_715 = arith.addi %get3A_687, %add3A_714 : vector<16xi32>
    %gather3A_716 = tpu.vector_load_idx %arg7[%add3A_715] : memref<3000xf32, #tpu.memory_space<vmem>>[vector<16xi32>], vector<16xf32>,
    %gather3A_717 = tpu.vector_load_idx %arg7[%get3A_689] : memref<3000xf32, #tpu.memory_space<vmem>>[vector<16xi32>], vector<16xf32>,
    %add3A_718 = arith.constant 1000 : i32
    %add3A_719 = vector.broadcast %add3A_718 : i32 to vector<16xi32>
    %add3A_720 = arith.addi %get3A_689, %add3A_719 : vector<16xi32>
    %gather3A_721 = tpu.vector_load_idx %arg7[%add3A_720] : memref<3000xf32, #tpu.memory_space<vmem>>[vector<16xi32>], vector<16xf32>,
    %add3A_722 = arith.constant 2000 : i32
    %add3A_723 = vector.broadcast %add3A_722 : i32 to vector<16xi32>
    %add3A_724 = arith.addi %get3A_689, %add3A_723 : vector<16xi32>
    %gather3A_725 = tpu.vector_load_idx %arg7[%add3A_724] : memref<3000xf32, #tpu.memory_space<vmem>>[vector<16xi32>], vector<16xf32>,
    %swap3A_726 = arith.constant 640 : index
    %swap3A_727 = tpu.vector_load %arg9[%swap3A_726] {strides = array<i32>} : memref<1024xf32, #tpu.memory_space<vmem>>, vector<16xf32>,
    tpu.vector_store %arg9[%swap3A_726], %gather3A_690 {strides = array<i32>} : memref<1024xf32, #tpu.memory_space<vmem>>, vector<16xf32>,
    %swap3A_728 = arith.constant 640 : index
    %swap3A_729 = tpu.vector_load %arg10[%swap3A_728] {strides = array<i32>} : memref<1024xf32, #tpu.memory_space<vmem>>, vector<16xf32>,
    tpu.vector_store %arg10[%swap3A_728], %gather3A_694 {strides = array<i32>} : memref<1024xf32, #tpu.memory_space<vmem>>, vector<16xf32>,
    %swap3A_730 = arith.constant 640 : index
    %swap3A_731 = tpu.vector_load %arg11[%swap3A_730] {strides = array<i32>} : memref<1024xf32, #tpu.memory_space<vmem>>, vector<16xf32>,
    tpu.vector_store %arg11[%swap3A_730], %gather3A_698 {strides = array<i32>} : memref<1024xf32, #tpu.memory_space<vmem>>, vector<16xf32>,
    %swap3A_732 = arith.constant 656 : index
    %swap3A_733 = tpu.vector_load %arg9[%swap3A_732] {strides = array<i32>} : memref<1024xf32, #tpu.memory_space<vmem>>, vector<16xf32>,
    tpu.vector_store %arg9[%swap3A_732], %gather3A_699 {strides = array<i32>} : memref<1024xf32, #tpu.memory_space<vmem>>, vector<16xf32>,
    %swap3A_734 = arith.constant 656 : index
    %swap3A_735 = tpu.vector_load %arg10[%swap3A_734] {strides = array<i32>} : memref<1024xf32, #tpu.memory_space<vmem>>, vector<16xf32>,
    tpu.vector_store %arg10[%swap3A_734], %gather3A_703 {strides = array<i32>} : memref<1024xf32, #tpu.memory_space<vmem>>, vector<16xf32>,
    %swap3A_736 = arith.constant 656 : index
    %swap3A_737 = tpu.vector_load %arg11[%swap3A_736] {strides = array<i32>} : memref<1024xf32, #tpu.memory_space<vmem>>, vector<16xf32>,
    tpu.vector_store %arg11[%swap3A_736], %gather3A_707 {strides = array<i32>} : memref<1024xf32, #tpu.memory_space<vmem>>, vector<16xf32>,
    %swap3A_738 = arith.constant 672 : index
    %swap3A_739 = tpu.vector_load %arg9[%swap3A_738] {strides = array<i32>} : memref<1024xf32, #tpu.memory_space<vmem>>, vector<16xf32>,
    tpu.vector_store %arg9[%swap3A_738], %gather3A_708 {strides = array<i32>} : memref<1024xf32, #tpu.memory_space<vmem>>, vector<16xf32>,
    %swap3A_740 = arith.constant 672 : index
    %swap3A_741 = tpu.vector_load %arg10[%swap3A_740] {strides = array<i32>} : memref<1024xf32, #tpu.memory_space<vmem>>, vector<16xf32>,
    tpu.vector_store %arg10[%swap3A_740], %gather3A_712 {strides = array<i32>} : memref<1024xf32, #tpu.memory_space<vmem>>, vector<16xf32>,
    %swap3A_742 = arith.constant 672 : index
    %swap3A_743 = tpu.vector_load %arg11[%swap3A_742] {strides = array<i32>} : memref<1024xf32, #tpu.memory_space<vmem>>, vector<16xf32>,
    tpu.vector_store %arg11[%swap3A_742], %gather3A_716 {strides = array<i32>} : memref<1024xf32, #tpu.memory_space<vmem>>, vector<16xf32>,
    %swap3A_744 = arith.constant 688 : index
    %swap3A_745 = tpu.vector_load %arg9[%swap3A_744] {strides = array<i32>} : memref<1024xf32, #tpu.memory_space<vmem>>, vector<16xf32>,
    tpu.vector_store %arg9[%swap3A_744], %gather3A_717 {strides = array<i32>} : memref<1024xf32, #tpu.memory_space<vmem>>, vector<16xf32>,
    %swap3A_746 = arith.constant 688 : index
    %swap3A_747 = tpu.vector_load %arg10[%swap3A_746] {strides = array<i32>} : memref<1024xf32, #tpu.memory_space<vmem>>, vector<16xf32>,
    tpu.vector_store %arg10[%swap3A_746], %gather3A_721 {strides = array<i32>} : memref<1024xf32, #tpu.memory_space<vmem>>, vector<16xf32>,
    %swap3A_748 = arith.constant 688 : index
    %swap3A_749 = tpu.vector_load %arg11[%swap3A_748] {strides = array<i32>} : memref<1024xf32, #tpu.memory_space<vmem>>, vector<16xf32>,
    tpu.vector_store %arg11[%swap3A_748], %gather3A_725 {strides = array<i32>} : memref<1024xf32, #tpu.memory_space<vmem>>, vector<16xf32>,
    %get3A_750 = arith.constant 704 : index
    %get3A_751 = tpu.vector_load %arg8[%get3A_750] {strides = array<i32>} : memref<1024xi32, #tpu.memory_space<vmem>>, vector<16xi32>,
    %get3A_752 = arith.constant 720 : index
    %get3A_753 = tpu.vector_load %arg8[%get3A_752] {strides = array<i32>} : memref<1024xi32, #tpu.memory_space<vmem>>, vector<16xi32>,
    %get3A_754 = arith.constant 736 : index
    %get3A_755 = tpu.vector_load %arg8[%get3A_754] {strides = array<i32>} : memref<1024xi32, #tpu.memory_space<vmem>>, vector<16xi32>,
    %get3A_756 = arith.constant 752 : index
    %get3A_757 = tpu.vector_load %arg8[%get3A_756] {strides = array<i32>} : memref<1024xi32, #tpu.memory_space<vmem>>, vector<16xi32>,
    %gather3A_758 = tpu.vector_load_idx %arg7[%get3A_751] : memref<3000xf32, #tpu.memory_space<vmem>>[vector<16xi32>], vector<16xf32>,
    %add3A_759 = arith.constant 1000 : i32
    %add3A_760 = vector.broadcast %add3A_759 : i32 to vector<16xi32>
    %add3A_761 = arith.addi %get3A_751, %add3A_760 : vector<16xi32>
    %gather3A_762 = tpu.vector_load_idx %arg7[%add3A_761] : memref<3000xf32, #tpu.memory_space<vmem>>[vector<16xi32>], vector<16xf32>,
    %add3A_763 = arith.constant 2000 : i32
    %add3A_764 = vector.broadcast %add3A_763 : i32 to vector<16xi32>
    %add3A_765 = arith.addi %get3A_751, %add3A_764 : vector<16xi32>
    %gather3A_766 = tpu.vector_load_idx %arg7[%add3A_765] : memref<3000xf32, #tpu.memory_space<vmem>>[vector<16xi32>], vector<16xf32>,
    %gather3A_767 = tpu.vector_load_idx %arg7[%get3A_753] : memref<3000xf32, #tpu.memory_space<vmem>>[vector<16xi32>], vector<16xf32>,
    %add3A_768 = arith.constant 1000 : i32
    %add3A_769 = vector.broadcast %add3A_768 : i32 to vector<16xi32>
    %add3A_770 = arith.addi %get3A_753, %add3A_769 : vector<16xi32>
    %gather3A_771 = tpu.vector_load_idx %arg7[%add3A_770] : memref<3000xf32, #tpu.memory_space<vmem>>[vector<16xi32>], vector<16xf32>,
    %add3A_772 = arith.constant 2000 : i32
    %add3A_773 = vector.broadcast %add3A_772 : i32 to vector<16xi32>
    %add3A_774 = arith.addi %get3A_753, %add3A_773 : vector<16xi32>
    %gather3A_775 = tpu.vector_load_idx %arg7[%add3A_774] : memref<3000xf32, #tpu.memory_space<vmem>>[vector<16xi32>], vector<16xf32>,
    %gather3A_776 = tpu.vector_load_idx %arg7[%get3A_755] : memref<3000xf32, #tpu.memory_space<vmem>>[vector<16xi32>], vector<16xf32>,
    %add3A_777 = arith.constant 1000 : i32
    %add3A_778 = vector.broadcast %add3A_777 : i32 to vector<16xi32>
    %add3A_779 = arith.addi %get3A_755, %add3A_778 : vector<16xi32>
    %gather3A_780 = tpu.vector_load_idx %arg7[%add3A_779] : memref<3000xf32, #tpu.memory_space<vmem>>[vector<16xi32>], vector<16xf32>,
    %add3A_781 = arith.constant 2000 : i32
    %add3A_782 = vector.broadcast %add3A_781 : i32 to vector<16xi32>
    %add3A_783 = arith.addi %get3A_755, %add3A_782 : vector<16xi32>
    %gather3A_784 = tpu.vector_load_idx %arg7[%add3A_783] : memref<3000xf32, #tpu.memory_space<vmem>>[vector<16xi32>], vector<16xf32>,
    %gather3A_785 = tpu.vector_load_idx %arg7[%get3A_757] : memref<3000xf32, #tpu.memory_space<vmem>>[vector<16xi32>], vector<16xf32>,
    %add3A_786 = arith.constant 1000 : i32
    %add3A_787 = vector.broadcast %add3A_786 : i32 to vector<16xi32>
    %add3A_788 = arith.addi %get3A_757, %add3A_787 : vector<16xi32>
    %gather3A_789 = tpu.vector_load_idx %arg7[%add3A_788] : memref<3000xf32, #tpu.memory_space<vmem>>[vector<16xi32>], vector<16xf32>,
    %add3A_790 = arith.constant 2000 : i32
    %add3A_791 = vector.broadcast %add3A_790 : i32 to vector<16xi32>
    %add3A_792 = arith.addi %get3A_757, %add3A_791 : vector<16xi32>
    %gather3A_793 = tpu.vector_load_idx %arg7[%add3A_792] : memref<3000xf32, #tpu.memory_space<vmem>>[vector<16xi32>], vector<16xf32>,
    %swap3A_794 = arith.constant 704 : index
    %swap3A_795 = tpu.vector_load %arg9[%swap3A_794] {strides = array<i32>} : memref<1024xf32, #tpu.memory_space<vmem>>, vector<16xf32>,
    tpu.vector_store %arg9[%swap3A_794], %gather3A_758 {strides = array<i32>} : memref<1024xf32, #tpu.memory_space<vmem>>, vector<16xf32>,
    %swap3A_796 = arith.constant 704 : index
    %swap3A_797 = tpu.vector_load %arg10[%swap3A_796] {strides = array<i32>} : memref<1024xf32, #tpu.memory_space<vmem>>, vector<16xf32>,
    tpu.vector_store %arg10[%swap3A_796], %gather3A_762 {strides = array<i32>} : memref<1024xf32, #tpu.memory_space<vmem>>, vector<16xf32>,
    %swap3A_798 = arith.constant 704 : index
    %swap3A_799 = tpu.vector_load %arg11[%swap3A_798] {strides = array<i32>} : memref<1024xf32, #tpu.memory_space<vmem>>, vector<16xf32>,
    tpu.vector_store %arg11[%swap3A_798], %gather3A_766 {strides = array<i32>} : memref<1024xf32, #tpu.memory_space<vmem>>, vector<16xf32>,
    %swap3A_800 = arith.constant 720 : index
    %swap3A_801 = tpu.vector_load %arg9[%swap3A_800] {strides = array<i32>} : memref<1024xf32, #tpu.memory_space<vmem>>, vector<16xf32>,
    tpu.vector_store %arg9[%swap3A_800], %gather3A_767 {strides = array<i32>} : memref<1024xf32, #tpu.memory_space<vmem>>, vector<16xf32>,
    %swap3A_802 = arith.constant 720 : index
    %swap3A_803 = tpu.vector_load %arg10[%swap3A_802] {strides = array<i32>} : memref<1024xf32, #tpu.memory_space<vmem>>, vector<16xf32>,
    tpu.vector_store %arg10[%swap3A_802], %gather3A_771 {strides = array<i32>} : memref<1024xf32, #tpu.memory_space<vmem>>, vector<16xf32>,
    %swap3A_804 = arith.constant 720 : index
    %swap3A_805 = tpu.vector_load %arg11[%swap3A_804] {strides = array<i32>} : memref<1024xf32, #tpu.memory_space<vmem>>, vector<16xf32>,
    tpu.vector_store %arg11[%swap3A_804], %gather3A_775 {strides = array<i32>} : memref<1024xf32, #tpu.memory_space<vmem>>, vector<16xf32>,
    %swap3A_806 = arith.constant 736 : index
    %swap3A_807 = tpu.vector_load %arg9[%swap3A_806] {strides = array<i32>} : memref<1024xf32, #tpu.memory_space<vmem>>, vector<16xf32>,
    tpu.vector_store %arg9[%swap3A_806], %gather3A_776 {strides = array<i32>} : memref<1024xf32, #tpu.memory_space<vmem>>, vector<16xf32>,
    %swap3A_808 = arith.constant 736 : index
    %swap3A_809 = tpu.vector_load %arg10[%swap3A_808] {strides = array<i32>} : memref<1024xf32, #tpu.memory_space<vmem>>, vector<16xf32>,
    tpu.vector_store %arg10[%swap3A_808], %gather3A_780 {strides = array<i32>} : memref<1024xf32, #tpu.memory_space<vmem>>, vector<16xf32>,
    %swap3A_810 = arith.constant 736 : index
    %swap3A_811 = tpu.vector_load %arg11[%swap3A_810] {strides = array<i32>} : memref<1024xf32, #tpu.memory_space<vmem>>, vector<16xf32>,
    tpu.vector_store %arg11[%swap3A_810], %gather3A_784 {strides = array<i32>} : memref<1024xf32, #tpu.memory_space<vmem>>, vector<16xf32>,
    %swap3A_812 = arith.constant 752 : index
    %swap3A_813 = tpu.vector_load %arg9[%swap3A_812] {strides = array<i32>} : memref<1024xf32, #tpu.memory_space<vmem>>, vector<16xf32>,
    tpu.vector_store %arg9[%swap3A_812], %gather3A_785 {strides = array<i32>} : memref<1024xf32, #tpu.memory_space<vmem>>, vector<16xf32>,
    %swap3A_814 = arith.constant 752 : index
    %swap3A_815 = tpu.vector_load %arg10[%swap3A_814] {strides = array<i32>} : memref<1024xf32, #tpu.memory_space<vmem>>, vector<16xf32>,
    tpu.vector_store %arg10[%swap3A_814], %gather3A_789 {strides = array<i32>} : memref<1024xf32, #tpu.memory_space<vmem>>, vector<16xf32>,
    %swap3A_816 = arith.constant 752 : index
    %swap3A_817 = tpu.vector_load %arg11[%swap3A_816] {strides = array<i32>} : memref<1024xf32, #tpu.memory_space<vmem>>, vector<16xf32>,
    tpu.vector_store %arg11[%swap3A_816], %gather3A_793 {strides = array<i32>} : memref<1024xf32, #tpu.memory_space<vmem>>, vector<16xf32>,
    %get3A_818 = arith.constant 768 : index
    %get3A_819 = tpu.vector_load %arg8[%get3A_818] {strides = array<i32>} : memref<1024xi32, #tpu.memory_space<vmem>>, vector<16xi32>,
    %get3A_820 = arith.constant 784 : index
    %get3A_821 = tpu.vector_load %arg8[%get3A_820] {strides = array<i32>} : memref<1024xi32, #tpu.memory_space<vmem>>, vector<16xi32>,
    %get3A_822 = arith.constant 800 : index
    %get3A_823 = tpu.vector_load %arg8[%get3A_822] {strides = array<i32>} : memref<1024xi32, #tpu.memory_space<vmem>>, vector<16xi32>,
    %get3A_824 = arith.constant 816 : index
    %get3A_825 = tpu.vector_load %arg8[%get3A_824] {strides = array<i32>} : memref<1024xi32, #tpu.memory_space<vmem>>, vector<16xi32>,
    %gather3A_826 = tpu.vector_load_idx %arg7[%get3A_819] : memref<3000xf32, #tpu.memory_space<vmem>>[vector<16xi32>], vector<16xf32>,
    %add3A_827 = arith.constant 1000 : i32
    %add3A_828 = vector.broadcast %add3A_827 : i32 to vector<16xi32>
    %add3A_829 = arith.addi %get3A_819, %add3A_828 : vector<16xi32>
    %gather3A_830 = tpu.vector_load_idx %arg7[%add3A_829] : memref<3000xf32, #tpu.memory_space<vmem>>[vector<16xi32>], vector<16xf32>,
    %add3A_831 = arith.constant 2000 : i32
    %add3A_832 = vector.broadcast %add3A_831 : i32 to vector<16xi32>
    %add3A_833 = arith.addi %get3A_819, %add3A_832 : vector<16xi32>
    %gather3A_834 = tpu.vector_load_idx %arg7[%add3A_833] : memref<3000xf32, #tpu.memory_space<vmem>>[vector<16xi32>], vector<16xf32>,
    %gather3A_835 = tpu.vector_load_idx %arg7[%get3A_821] : memref<3000xf32, #tpu.memory_space<vmem>>[vector<16xi32>], vector<16xf32>,
    %add3A_836 = arith.constant 1000 : i32
    %add3A_837 = vector.broadcast %add3A_836 : i32 to vector<16xi32>
    %add3A_838 = arith.addi %get3A_821, %add3A_837 : vector<16xi32>
    %gather3A_839 = tpu.vector_load_idx %arg7[%add3A_838] : memref<3000xf32, #tpu.memory_space<vmem>>[vector<16xi32>], vector<16xf32>,
    %add3A_840 = arith.constant 2000 : i32
    %add3A_841 = vector.broadcast %add3A_840 : i32 to vector<16xi32>
    %add3A_842 = arith.addi %get3A_821, %add3A_841 : vector<16xi32>
    %gather3A_843 = tpu.vector_load_idx %arg7[%add3A_842] : memref<3000xf32, #tpu.memory_space<vmem>>[vector<16xi32>], vector<16xf32>,
    %gather3A_844 = tpu.vector_load_idx %arg7[%get3A_823] : memref<3000xf32, #tpu.memory_space<vmem>>[vector<16xi32>], vector<16xf32>,
    %add3A_845 = arith.constant 1000 : i32
    %add3A_846 = vector.broadcast %add3A_845 : i32 to vector<16xi32>
    %add3A_847 = arith.addi %get3A_823, %add3A_846 : vector<16xi32>
    %gather3A_848 = tpu.vector_load_idx %arg7[%add3A_847] : memref<3000xf32, #tpu.memory_space<vmem>>[vector<16xi32>], vector<16xf32>,
    %add3A_849 = arith.constant 2000 : i32
    %add3A_850 = vector.broadcast %add3A_849 : i32 to vector<16xi32>
    %add3A_851 = arith.addi %get3A_823, %add3A_850 : vector<16xi32>
    %gather3A_852 = tpu.vector_load_idx %arg7[%add3A_851] : memref<3000xf32, #tpu.memory_space<vmem>>[vector<16xi32>], vector<16xf32>,
    %gather3A_853 = tpu.vector_load_idx %arg7[%get3A_825] : memref<3000xf32, #tpu.memory_space<vmem>>[vector<16xi32>], vector<16xf32>,
    %add3A_854 = arith.constant 1000 : i32
    %add3A_855 = vector.broadcast %add3A_854 : i32 to vector<16xi32>
    %add3A_856 = arith.addi %get3A_825, %add3A_855 : vector<16xi32>
    %gather3A_857 = tpu.vector_load_idx %arg7[%add3A_856] : memref<3000xf32, #tpu.memory_space<vmem>>[vector<16xi32>], vector<16xf32>,
    %add3A_858 = arith.constant 2000 : i32
    %add3A_859 = vector.broadcast %add3A_858 : i32 to vector<16xi32>
    %add3A_860 = arith.addi %get3A_825, %add3A_859 : vector<16xi32>
    %gather3A_861 = tpu.vector_load_idx %arg7[%add3A_860] : memref<3000xf32, #tpu.memory_space<vmem>>[vector<16xi32>], vector<16xf32>,
    %swap3A_862 = arith.constant 768 : index
    %swap3A_863 = tpu.vector_load %arg9[%swap3A_862] {strides = array<i32>} : memref<1024xf32, #tpu.memory_space<vmem>>, vector<16xf32>,
    tpu.vector_store %arg9[%swap3A_862], %gather3A_826 {strides = array<i32>} : memref<1024xf32, #tpu.memory_space<vmem>>, vector<16xf32>,
    %swap3A_864 = arith.constant 768 : index
    %swap3A_865 = tpu.vector_load %arg10[%swap3A_864] {strides = array<i32>} : memref<1024xf32, #tpu.memory_space<vmem>>, vector<16xf32>,
    tpu.vector_store %arg10[%swap3A_864], %gather3A_830 {strides = array<i32>} : memref<1024xf32, #tpu.memory_space<vmem>>, vector<16xf32>,
    %swap3A_866 = arith.constant 768 : index
    %swap3A_867 = tpu.vector_load %arg11[%swap3A_866] {strides = array<i32>} : memref<1024xf32, #tpu.memory_space<vmem>>, vector<16xf32>,
    tpu.vector_store %arg11[%swap3A_866], %gather3A_834 {strides = array<i32>} : memref<1024xf32, #tpu.memory_space<vmem>>, vector<16xf32>,
    %swap3A_868 = arith.constant 784 : index
    %swap3A_869 = tpu.vector_load %arg9[%swap3A_868] {strides = array<i32>} : memref<1024xf32, #tpu.memory_space<vmem>>, vector<16xf32>,
    tpu.vector_store %arg9[%swap3A_868], %gather3A_835 {strides = array<i32>} : memref<1024xf32, #tpu.memory_space<vmem>>, vector<16xf32>,
    %swap3A_870 = arith.constant 784 : index
    %swap3A_871 = tpu.vector_load %arg10[%swap3A_870] {strides = array<i32>} : memref<1024xf32, #tpu.memory_space<vmem>>, vector<16xf32>,
    tpu.vector_store %arg10[%swap3A_870], %gather3A_839 {strides = array<i32>} : memref<1024xf32, #tpu.memory_space<vmem>>, vector<16xf32>,
    %swap3A_872 = arith.constant 784 : index
    %swap3A_873 = tpu.vector_load %arg11[%swap3A_872] {strides = array<i32>} : memref<1024xf32, #tpu.memory_space<vmem>>, vector<16xf32>,
    tpu.vector_store %arg11[%swap3A_872], %gather3A_843 {strides = array<i32>} : memref<1024xf32, #tpu.memory_space<vmem>>, vector<16xf32>,
    %swap3A_874 = arith.constant 800 : index
    %swap3A_875 = tpu.vector_load %arg9[%swap3A_874] {strides = array<i32>} : memref<1024xf32, #tpu.memory_space<vmem>>, vector<16xf32>,
    tpu.vector_store %arg9[%swap3A_874], %gather3A_844 {strides = array<i32>} : memref<1024xf32, #tpu.memory_space<vmem>>, vector<16xf32>,
    %swap3A_876 = arith.constant 800 : index
    %swap3A_877 = tpu.vector_load %arg10[%swap3A_876] {strides = array<i32>} : memref<1024xf32, #tpu.memory_space<vmem>>, vector<16xf32>,
    tpu.vector_store %arg10[%swap3A_876], %gather3A_848 {strides = array<i32>} : memref<1024xf32, #tpu.memory_space<vmem>>, vector<16xf32>,
    %swap3A_878 = arith.constant 800 : index
    %swap3A_879 = tpu.vector_load %arg11[%swap3A_878] {strides = array<i32>} : memref<1024xf32, #tpu.memory_space<vmem>>, vector<16xf32>,
    tpu.vector_store %arg11[%swap3A_878], %gather3A_852 {strides = array<i32>} : memref<1024xf32, #tpu.memory_space<vmem>>, vector<16xf32>,
    %swap3A_880 = arith.constant 816 : index
    %swap3A_881 = tpu.vector_load %arg9[%swap3A_880] {strides = array<i32>} : memref<1024xf32, #tpu.memory_space<vmem>>, vector<16xf32>,
    tpu.vector_store %arg9[%swap3A_880], %gather3A_853 {strides = array<i32>} : memref<1024xf32, #tpu.memory_space<vmem>>, vector<16xf32>,
    %swap3A_882 = arith.constant 816 : index
    %swap3A_883 = tpu.vector_load %arg10[%swap3A_882] {strides = array<i32>} : memref<1024xf32, #tpu.memory_space<vmem>>, vector<16xf32>,
    tpu.vector_store %arg10[%swap3A_882], %gather3A_857 {strides = array<i32>} : memref<1024xf32, #tpu.memory_space<vmem>>, vector<16xf32>,
    %swap3A_884 = arith.constant 816 : index
    %swap3A_885 = tpu.vector_load %arg11[%swap3A_884] {strides = array<i32>} : memref<1024xf32, #tpu.memory_space<vmem>>, vector<16xf32>,
    tpu.vector_store %arg11[%swap3A_884], %gather3A_861 {strides = array<i32>} : memref<1024xf32, #tpu.memory_space<vmem>>, vector<16xf32>,
    %get3A_886 = arith.constant 832 : index
    %get3A_887 = tpu.vector_load %arg8[%get3A_886] {strides = array<i32>} : memref<1024xi32, #tpu.memory_space<vmem>>, vector<16xi32>,
    %get3A_888 = arith.constant 848 : index
    %get3A_889 = tpu.vector_load %arg8[%get3A_888] {strides = array<i32>} : memref<1024xi32, #tpu.memory_space<vmem>>, vector<16xi32>,
    %get3A_890 = arith.constant 864 : index
    %get3A_891 = tpu.vector_load %arg8[%get3A_890] {strides = array<i32>} : memref<1024xi32, #tpu.memory_space<vmem>>, vector<16xi32>,
    %get3A_892 = arith.constant 880 : index
    %get3A_893 = tpu.vector_load %arg8[%get3A_892] {strides = array<i32>} : memref<1024xi32, #tpu.memory_space<vmem>>, vector<16xi32>,
    %gather3A_894 = tpu.vector_load_idx %arg7[%get3A_887] : memref<3000xf32, #tpu.memory_space<vmem>>[vector<16xi32>], vector<16xf32>,
    %add3A_895 = arith.constant 1000 : i32
    %add3A_896 = vector.broadcast %add3A_895 : i32 to vector<16xi32>
    %add3A_897 = arith.addi %get3A_887, %add3A_896 : vector<16xi32>
    %gather3A_898 = tpu.vector_load_idx %arg7[%add3A_897] : memref<3000xf32, #tpu.memory_space<vmem>>[vector<16xi32>], vector<16xf32>,
    %add3A_899 = arith.constant 2000 : i32
    %add3A_900 = vector.broadcast %add3A_899 : i32 to vector<16xi32>
    %add3A_901 = arith.addi %get3A_887, %add3A_900 : vector<16xi32>
    %gather3A_902 = tpu.vector_load_idx %arg7[%add3A_901] : memref<3000xf32, #tpu.memory_space<vmem>>[vector<16xi32>], vector<16xf32>,
    %gather3A_903 = tpu.vector_load_idx %arg7[%get3A_889] : memref<3000xf32, #tpu.memory_space<vmem>>[vector<16xi32>], vector<16xf32>,
    %add3A_904 = arith.constant 1000 : i32
    %add3A_905 = vector.broadcast %add3A_904 : i32 to vector<16xi32>
    %add3A_906 = arith.addi %get3A_889, %add3A_905 : vector<16xi32>
    %gather3A_907 = tpu.vector_load_idx %arg7[%add3A_906] : memref<3000xf32, #tpu.memory_space<vmem>>[vector<16xi32>], vector<16xf32>,
    %add3A_908 = arith.constant 2000 : i32
    %add3A_909 = vector.broadcast %add3A_908 : i32 to vector<16xi32>
    %add3A_910 = arith.addi %get3A_889, %add3A_909 : vector<16xi32>
    %gather3A_911 = tpu.vector_load_idx %arg7[%add3A_910] : memref<3000xf32, #tpu.memory_space<vmem>>[vector<16xi32>], vector<16xf32>,
    %gather3A_912 = tpu.vector_load_idx %arg7[%get3A_891] : memref<3000xf32, #tpu.memory_space<vmem>>[vector<16xi32>], vector<16xf32>,
    %add3A_913 = arith.constant 1000 : i32
    %add3A_914 = vector.broadcast %add3A_913 : i32 to vector<16xi32>
    %add3A_915 = arith.addi %get3A_891, %add3A_914 : vector<16xi32>
    %gather3A_916 = tpu.vector_load_idx %arg7[%add3A_915] : memref<3000xf32, #tpu.memory_space<vmem>>[vector<16xi32>], vector<16xf32>,
    %add3A_917 = arith.constant 2000 : i32
    %add3A_918 = vector.broadcast %add3A_917 : i32 to vector<16xi32>
    %add3A_919 = arith.addi %get3A_891, %add3A_918 : vector<16xi32>
    %gather3A_920 = tpu.vector_load_idx %arg7[%add3A_919] : memref<3000xf32, #tpu.memory_space<vmem>>[vector<16xi32>], vector<16xf32>,
    %gather3A_921 = tpu.vector_load_idx %arg7[%get3A_893] : memref<3000xf32, #tpu.memory_space<vmem>>[vector<16xi32>], vector<16xf32>,
    %add3A_922 = arith.constant 1000 : i32
    %add3A_923 = vector.broadcast %add3A_922 : i32 to vector<16xi32>
    %add3A_924 = arith.addi %get3A_893, %add3A_923 : vector<16xi32>
    %gather3A_925 = tpu.vector_load_idx %arg7[%add3A_924] : memref<3000xf32, #tpu.memory_space<vmem>>[vector<16xi32>], vector<16xf32>,
    %add3A_926 = arith.constant 2000 : i32
    %add3A_927 = vector.broadcast %add3A_926 : i32 to vector<16xi32>
    %add3A_928 = arith.addi %get3A_893, %add3A_927 : vector<16xi32>
    %gather3A_929 = tpu.vector_load_idx %arg7[%add3A_928] : memref<3000xf32, #tpu.memory_space<vmem>>[vector<16xi32>], vector<16xf32>,
    %swap3A_930 = arith.constant 832 : index
    %swap3A_931 = tpu.vector_load %arg9[%swap3A_930] {strides = array<i32>} : memref<1024xf32, #tpu.memory_space<vmem>>, vector<16xf32>,
    tpu.vector_store %arg9[%swap3A_930], %gather3A_894 {strides = array<i32>} : memref<1024xf32, #tpu.memory_space<vmem>>, vector<16xf32>,
    %swap3A_932 = arith.constant 832 : index
    %swap3A_933 = tpu.vector_load %arg10[%swap3A_932] {strides = array<i32>} : memref<1024xf32, #tpu.memory_space<vmem>>, vector<16xf32>,
    tpu.vector_store %arg10[%swap3A_932], %gather3A_898 {strides = array<i32>} : memref<1024xf32, #tpu.memory_space<vmem>>, vector<16xf32>,
    %swap3A_934 = arith.constant 832 : index
    %swap3A_935 = tpu.vector_load %arg11[%swap3A_934] {strides = array<i32>} : memref<1024xf32, #tpu.memory_space<vmem>>, vector<16xf32>,
    tpu.vector_store %arg11[%swap3A_934], %gather3A_902 {strides = array<i32>} : memref<1024xf32, #tpu.memory_space<vmem>>, vector<16xf32>,
    %swap3A_936 = arith.constant 848 : index
    %swap3A_937 = tpu.vector_load %arg9[%swap3A_936] {strides = array<i32>} : memref<1024xf32, #tpu.memory_space<vmem>>, vector<16xf32>,
    tpu.vector_store %arg9[%swap3A_936], %gather3A_903 {strides = array<i32>} : memref<1024xf32, #tpu.memory_space<vmem>>, vector<16xf32>,
    %swap3A_938 = arith.constant 848 : index
    %swap3A_939 = tpu.vector_load %arg10[%swap3A_938] {strides = array<i32>} : memref<1024xf32, #tpu.memory_space<vmem>>, vector<16xf32>,
    tpu.vector_store %arg10[%swap3A_938], %gather3A_907 {strides = array<i32>} : memref<1024xf32, #tpu.memory_space<vmem>>, vector<16xf32>,
    %swap3A_940 = arith.constant 848 : index
    %swap3A_941 = tpu.vector_load %arg11[%swap3A_940] {strides = array<i32>} : memref<1024xf32, #tpu.memory_space<vmem>>, vector<16xf32>,
    tpu.vector_store %arg11[%swap3A_940], %gather3A_911 {strides = array<i32>} : memref<1024xf32, #tpu.memory_space<vmem>>, vector<16xf32>,
    %swap3A_942 = arith.constant 864 : index
    %swap3A_943 = tpu.vector_load %arg9[%swap3A_942] {strides = array<i32>} : memref<1024xf32, #tpu.memory_space<vmem>>, vector<16xf32>,
    tpu.vector_store %arg9[%swap3A_942], %gather3A_912 {strides = array<i32>} : memref<1024xf32, #tpu.memory_space<vmem>>, vector<16xf32>,
    %swap3A_944 = arith.constant 864 : index
    %swap3A_945 = tpu.vector_load %arg10[%swap3A_944] {strides = array<i32>} : memref<1024xf32, #tpu.memory_space<vmem>>, vector<16xf32>,
    tpu.vector_store %arg10[%swap3A_944], %gather3A_916 {strides = array<i32>} : memref<1024xf32, #tpu.memory_space<vmem>>, vector<16xf32>,
    %swap3A_946 = arith.constant 864 : index
    %swap3A_947 = tpu.vector_load %arg11[%swap3A_946] {strides = array<i32>} : memref<1024xf32, #tpu.memory_space<vmem>>, vector<16xf32>,
    tpu.vector_store %arg11[%swap3A_946], %gather3A_920 {strides = array<i32>} : memref<1024xf32, #tpu.memory_space<vmem>>, vector<16xf32>,
    %swap3A_948 = arith.constant 880 : index
    %swap3A_949 = tpu.vector_load %arg9[%swap3A_948] {strides = array<i32>} : memref<1024xf32, #tpu.memory_space<vmem>>, vector<16xf32>,
    tpu.vector_store %arg9[%swap3A_948], %gather3A_921 {strides = array<i32>} : memref<1024xf32, #tpu.memory_space<vmem>>, vector<16xf32>,
    %swap3A_950 = arith.constant 880 : index
    %swap3A_951 = tpu.vector_load %arg10[%swap3A_950] {strides = array<i32>} : memref<1024xf32, #tpu.memory_space<vmem>>, vector<16xf32>,
    tpu.vector_store %arg10[%swap3A_950], %gather3A_925 {strides = array<i32>} : memref<1024xf32, #tpu.memory_space<vmem>>, vector<16xf32>,
    %swap3A_952 = arith.constant 880 : index
    %swap3A_953 = tpu.vector_load %arg11[%swap3A_952] {strides = array<i32>} : memref<1024xf32, #tpu.memory_space<vmem>>, vector<16xf32>,
    tpu.vector_store %arg11[%swap3A_952], %gather3A_929 {strides = array<i32>} : memref<1024xf32, #tpu.memory_space<vmem>>, vector<16xf32>,
    %get3A_954 = arith.constant 896 : index
    %get3A_955 = tpu.vector_load %arg8[%get3A_954] {strides = array<i32>} : memref<1024xi32, #tpu.memory_space<vmem>>, vector<16xi32>,
    %get3A_956 = arith.constant 912 : index
    %get3A_957 = tpu.vector_load %arg8[%get3A_956] {strides = array<i32>} : memref<1024xi32, #tpu.memory_space<vmem>>, vector<16xi32>,
    %get3A_958 = arith.constant 928 : index
    %get3A_959 = tpu.vector_load %arg8[%get3A_958] {strides = array<i32>} : memref<1024xi32, #tpu.memory_space<vmem>>, vector<16xi32>,
    %get3A_960 = arith.constant 944 : index
    %get3A_961 = tpu.vector_load %arg8[%get3A_960] {strides = array<i32>} : memref<1024xi32, #tpu.memory_space<vmem>>, vector<16xi32>,
    %gather3A_962 = tpu.vector_load_idx %arg7[%get3A_955] : memref<3000xf32, #tpu.memory_space<vmem>>[vector<16xi32>], vector<16xf32>,
    %add3A_963 = arith.constant 1000 : i32
    %add3A_964 = vector.broadcast %add3A_963 : i32 to vector<16xi32>
    %add3A_965 = arith.addi %get3A_955, %add3A_964 : vector<16xi32>
    %gather3A_966 = tpu.vector_load_idx %arg7[%add3A_965] : memref<3000xf32, #tpu.memory_space<vmem>>[vector<16xi32>], vector<16xf32>,
    %add3A_967 = arith.constant 2000 : i32
    %add3A_968 = vector.broadcast %add3A_967 : i32 to vector<16xi32>
    %add3A_969 = arith.addi %get3A_955, %add3A_968 : vector<16xi32>
    %gather3A_970 = tpu.vector_load_idx %arg7[%add3A_969] : memref<3000xf32, #tpu.memory_space<vmem>>[vector<16xi32>], vector<16xf32>,
    %gather3A_971 = tpu.vector_load_idx %arg7[%get3A_957] : memref<3000xf32, #tpu.memory_space<vmem>>[vector<16xi32>], vector<16xf32>,
    %add3A_972 = arith.constant 1000 : i32
    %add3A_973 = vector.broadcast %add3A_972 : i32 to vector<16xi32>
    %add3A_974 = arith.addi %get3A_957, %add3A_973 : vector<16xi32>
    %gather3A_975 = tpu.vector_load_idx %arg7[%add3A_974] : memref<3000xf32, #tpu.memory_space<vmem>>[vector<16xi32>], vector<16xf32>,
    %add3A_976 = arith.constant 2000 : i32
    %add3A_977 = vector.broadcast %add3A_976 : i32 to vector<16xi32>
    %add3A_978 = arith.addi %get3A_957, %add3A_977 : vector<16xi32>
    %gather3A_979 = tpu.vector_load_idx %arg7[%add3A_978] : memref<3000xf32, #tpu.memory_space<vmem>>[vector<16xi32>], vector<16xf32>,
    %gather3A_980 = tpu.vector_load_idx %arg7[%get3A_959] : memref<3000xf32, #tpu.memory_space<vmem>>[vector<16xi32>], vector<16xf32>,
    %add3A_981 = arith.constant 1000 : i32
    %add3A_982 = vector.broadcast %add3A_981 : i32 to vector<16xi32>
    %add3A_983 = arith.addi %get3A_959, %add3A_982 : vector<16xi32>
    %gather3A_984 = tpu.vector_load_idx %arg7[%add3A_983] : memref<3000xf32, #tpu.memory_space<vmem>>[vector<16xi32>], vector<16xf32>,
    %add3A_985 = arith.constant 2000 : i32
    %add3A_986 = vector.broadcast %add3A_985 : i32 to vector<16xi32>
    %add3A_987 = arith.addi %get3A_959, %add3A_986 : vector<16xi32>
    %gather3A_988 = tpu.vector_load_idx %arg7[%add3A_987] : memref<3000xf32, #tpu.memory_space<vmem>>[vector<16xi32>], vector<16xf32>,
    %gather3A_989 = tpu.vector_load_idx %arg7[%get3A_961] : memref<3000xf32, #tpu.memory_space<vmem>>[vector<16xi32>], vector<16xf32>,
    %add3A_990 = arith.constant 1000 : i32
    %add3A_991 = vector.broadcast %add3A_990 : i32 to vector<16xi32>
    %add3A_992 = arith.addi %get3A_961, %add3A_991 : vector<16xi32>
    %gather3A_993 = tpu.vector_load_idx %arg7[%add3A_992] : memref<3000xf32, #tpu.memory_space<vmem>>[vector<16xi32>], vector<16xf32>,
    %add3A_994 = arith.constant 2000 : i32
    %add3A_995 = vector.broadcast %add3A_994 : i32 to vector<16xi32>
    %add3A_996 = arith.addi %get3A_961, %add3A_995 : vector<16xi32>
    %gather3A_997 = tpu.vector_load_idx %arg7[%add3A_996] : memref<3000xf32, #tpu.memory_space<vmem>>[vector<16xi32>], vector<16xf32>,
    %swap3A_998 = arith.constant 896 : index
    %swap3A_999 = tpu.vector_load %arg9[%swap3A_998] {strides = array<i32>} : memref<1024xf32, #tpu.memory_space<vmem>>, vector<16xf32>,
    tpu.vector_store %arg9[%swap3A_998], %gather3A_962 {strides = array<i32>} : memref<1024xf32, #tpu.memory_space<vmem>>, vector<16xf32>,
    %swap3A_1000 = arith.constant 896 : index
    %swap3A_1001 = tpu.vector_load %arg10[%swap3A_1000] {strides = array<i32>} : memref<1024xf32, #tpu.memory_space<vmem>>, vector<16xf32>,
    tpu.vector_store %arg10[%swap3A_1000], %gather3A_966 {strides = array<i32>} : memref<1024xf32, #tpu.memory_space<vmem>>, vector<16xf32>,
    %swap3A_1002 = arith.constant 896 : index
    %swap3A_1003 = tpu.vector_load %arg11[%swap3A_1002] {strides = array<i32>} : memref<1024xf32, #tpu.memory_space<vmem>>, vector<16xf32>,
    tpu.vector_store %arg11[%swap3A_1002], %gather3A_970 {strides = array<i32>} : memref<1024xf32, #tpu.memory_space<vmem>>, vector<16xf32>,
    %swap3A_1004 = arith.constant 912 : index
    %swap3A_1005 = tpu.vector_load %arg9[%swap3A_1004] {strides = array<i32>} : memref<1024xf32, #tpu.memory_space<vmem>>, vector<16xf32>,
    tpu.vector_store %arg9[%swap3A_1004], %gather3A_971 {strides = array<i32>} : memref<1024xf32, #tpu.memory_space<vmem>>, vector<16xf32>,
    %swap3A_1006 = arith.constant 912 : index
    %swap3A_1007 = tpu.vector_load %arg10[%swap3A_1006] {strides = array<i32>} : memref<1024xf32, #tpu.memory_space<vmem>>, vector<16xf32>,
    tpu.vector_store %arg10[%swap3A_1006], %gather3A_975 {strides = array<i32>} : memref<1024xf32, #tpu.memory_space<vmem>>, vector<16xf32>,
    %swap3A_1008 = arith.constant 912 : index
    %swap3A_1009 = tpu.vector_load %arg11[%swap3A_1008] {strides = array<i32>} : memref<1024xf32, #tpu.memory_space<vmem>>, vector<16xf32>,
    tpu.vector_store %arg11[%swap3A_1008], %gather3A_979 {strides = array<i32>} : memref<1024xf32, #tpu.memory_space<vmem>>, vector<16xf32>,
    %swap3A_1010 = arith.constant 928 : index
    %swap3A_1011 = tpu.vector_load %arg9[%swap3A_1010] {strides = array<i32>} : memref<1024xf32, #tpu.memory_space<vmem>>, vector<16xf32>,
    tpu.vector_store %arg9[%swap3A_1010], %gather3A_980 {strides = array<i32>} : memref<1024xf32, #tpu.memory_space<vmem>>, vector<16xf32>,
    %swap3A_1012 = arith.constant 928 : index
    %swap3A_1013 = tpu.vector_load %arg10[%swap3A_1012] {strides = array<i32>} : memref<1024xf32, #tpu.memory_space<vmem>>, vector<16xf32>,
    tpu.vector_store %arg10[%swap3A_1012], %gather3A_984 {strides = array<i32>} : memref<1024xf32, #tpu.memory_space<vmem>>, vector<16xf32>,
    %swap3A_1014 = arith.constant 928 : index
    %swap3A_1015 = tpu.vector_load %arg11[%swap3A_1014] {strides = array<i32>} : memref<1024xf32, #tpu.memory_space<vmem>>, vector<16xf32>,
    tpu.vector_store %arg11[%swap3A_1014], %gather3A_988 {strides = array<i32>} : memref<1024xf32, #tpu.memory_space<vmem>>, vector<16xf32>,
    %swap3A_1016 = arith.constant 944 : index
    %swap3A_1017 = tpu.vector_load %arg9[%swap3A_1016] {strides = array<i32>} : memref<1024xf32, #tpu.memory_space<vmem>>, vector<16xf32>,
    tpu.vector_store %arg9[%swap3A_1016], %gather3A_989 {strides = array<i32>} : memref<1024xf32, #tpu.memory_space<vmem>>, vector<16xf32>,
    %swap3A_1018 = arith.constant 944 : index
    %swap3A_1019 = tpu.vector_load %arg10[%swap3A_1018] {strides = array<i32>} : memref<1024xf32, #tpu.memory_space<vmem>>, vector<16xf32>,
    tpu.vector_store %arg10[%swap3A_1018], %gather3A_993 {strides = array<i32>} : memref<1024xf32, #tpu.memory_space<vmem>>, vector<16xf32>,
    %swap3A_1020 = arith.constant 944 : index
    %swap3A_1021 = tpu.vector_load %arg11[%swap3A_1020] {strides = array<i32>} : memref<1024xf32, #tpu.memory_space<vmem>>, vector<16xf32>,
    tpu.vector_store %arg11[%swap3A_1020], %gather3A_997 {strides = array<i32>} : memref<1024xf32, #tpu.memory_space<vmem>>, vector<16xf32>,
    %get3A_1022 = arith.constant 960 : index
    %get3A_1023 = tpu.vector_load %arg8[%get3A_1022] {strides = array<i32>} : memref<1024xi32, #tpu.memory_space<vmem>>, vector<16xi32>,
    %get3A_1024 = arith.constant 976 : index
    %get3A_1025 = tpu.vector_load %arg8[%get3A_1024] {strides = array<i32>} : memref<1024xi32, #tpu.memory_space<vmem>>, vector<16xi32>,
    %get3A_1026 = arith.constant 992 : index
    %get3A_1027 = tpu.vector_load %arg8[%get3A_1026] {strides = array<i32>} : memref<1024xi32, #tpu.memory_space<vmem>>, vector<16xi32>,
    %get3A_1028 = arith.constant 1008 : index
    %get3A_1029 = tpu.vector_load %arg8[%get3A_1028] {strides = array<i32>} : memref<1024xi32, #tpu.memory_space<vmem>>, vector<16xi32>,
    %gather3A_1030 = tpu.vector_load_idx %arg7[%get3A_1023] : memref<3000xf32, #tpu.memory_space<vmem>>[vector<16xi32>], vector<16xf32>,
    %add3A_1031 = arith.constant 1000 : i32
    %add3A_1032 = vector.broadcast %add3A_1031 : i32 to vector<16xi32>
    %add3A_1033 = arith.addi %get3A_1023, %add3A_1032 : vector<16xi32>
    %gather3A_1034 = tpu.vector_load_idx %arg7[%add3A_1033] : memref<3000xf32, #tpu.memory_space<vmem>>[vector<16xi32>], vector<16xf32>,
    %add3A_1035 = arith.constant 2000 : i32
    %add3A_1036 = vector.broadcast %add3A_1035 : i32 to vector<16xi32>
    %add3A_1037 = arith.addi %get3A_1023, %add3A_1036 : vector<16xi32>
    %gather3A_1038 = tpu.vector_load_idx %arg7[%add3A_1037] : memref<3000xf32, #tpu.memory_space<vmem>>[vector<16xi32>], vector<16xf32>,
    %gather3A_1039 = tpu.vector_load_idx %arg7[%get3A_1025] : memref<3000xf32, #tpu.memory_space<vmem>>[vector<16xi32>], vector<16xf32>,
    %add3A_1040 = arith.constant 1000 : i32
    %add3A_1041 = vector.broadcast %add3A_1040 : i32 to vector<16xi32>
    %add3A_1042 = arith.addi %get3A_1025, %add3A_1041 : vector<16xi32>
    %gather3A_1043 = tpu.vector_load_idx %arg7[%add3A_1042] : memref<3000xf32, #tpu.memory_space<vmem>>[vector<16xi32>], vector<16xf32>,
    %add3A_1044 = arith.constant 2000 : i32
    %add3A_1045 = vector.broadcast %add3A_1044 : i32 to vector<16xi32>
    %add3A_1046 = arith.addi %get3A_1025, %add3A_1045 : vector<16xi32>
    %gather3A_1047 = tpu.vector_load_idx %arg7[%add3A_1046] : memref<3000xf32, #tpu.memory_space<vmem>>[vector<16xi32>], vector<16xf32>,
    %gather3A_1048 = tpu.vector_load_idx %arg7[%get3A_1027] : memref<3000xf32, #tpu.memory_space<vmem>>[vector<16xi32>], vector<16xf32>,
    %add3A_1049 = arith.constant 1000 : i32
    %add3A_1050 = vector.broadcast %add3A_1049 : i32 to vector<16xi32>
    %add3A_1051 = arith.addi %get3A_1027, %add3A_1050 : vector<16xi32>
    %gather3A_1052 = tpu.vector_load_idx %arg7[%add3A_1051] : memref<3000xf32, #tpu.memory_space<vmem>>[vector<16xi32>], vector<16xf32>,
    %add3A_1053 = arith.constant 2000 : i32
    %add3A_1054 = vector.broadcast %add3A_1053 : i32 to vector<16xi32>
    %add3A_1055 = arith.addi %get3A_1027, %add3A_1054 : vector<16xi32>
    %gather3A_1056 = tpu.vector_load_idx %arg7[%add3A_1055] : memref<3000xf32, #tpu.memory_space<vmem>>[vector<16xi32>], vector<16xf32>,
    %gather3A_1057 = tpu.vector_load_idx %arg7[%get3A_1029] : memref<3000xf32, #tpu.memory_space<vmem>>[vector<16xi32>], vector<16xf32>,
    %add3A_1058 = arith.constant 1000 : i32
    %add3A_1059 = vector.broadcast %add3A_1058 : i32 to vector<16xi32>
    %add3A_1060 = arith.addi %get3A_1029, %add3A_1059 : vector<16xi32>
    %gather3A_1061 = tpu.vector_load_idx %arg7[%add3A_1060] : memref<3000xf32, #tpu.memory_space<vmem>>[vector<16xi32>], vector<16xf32>,
    %add3A_1062 = arith.constant 2000 : i32
    %add3A_1063 = vector.broadcast %add3A_1062 : i32 to vector<16xi32>
    %add3A_1064 = arith.addi %get3A_1029, %add3A_1063 : vector<16xi32>
    %gather3A_1065 = tpu.vector_load_idx %arg7[%add3A_1064] : memref<3000xf32, #tpu.memory_space<vmem>>[vector<16xi32>], vector<16xf32>,
    %swap3A_1066 = arith.constant 960 : index
    %swap3A_1067 = tpu.vector_load %arg9[%swap3A_1066] {strides = array<i32>} : memref<1024xf32, #tpu.memory_space<vmem>>, vector<16xf32>,
    tpu.vector_store %arg9[%swap3A_1066], %gather3A_1030 {strides = array<i32>} : memref<1024xf32, #tpu.memory_space<vmem>>, vector<16xf32>,
    %swap3A_1068 = arith.constant 960 : index
    %swap3A_1069 = tpu.vector_load %arg10[%swap3A_1068] {strides = array<i32>} : memref<1024xf32, #tpu.memory_space<vmem>>, vector<16xf32>,
    tpu.vector_store %arg10[%swap3A_1068], %gather3A_1034 {strides = array<i32>} : memref<1024xf32, #tpu.memory_space<vmem>>, vector<16xf32>,
    %swap3A_1070 = arith.constant 960 : index
    %swap3A_1071 = tpu.vector_load %arg11[%swap3A_1070] {strides = array<i32>} : memref<1024xf32, #tpu.memory_space<vmem>>, vector<16xf32>,
    tpu.vector_store %arg11[%swap3A_1070], %gather3A_1038 {strides = array<i32>} : memref<1024xf32, #tpu.memory_space<vmem>>, vector<16xf32>,
    %swap3A_1072 = arith.constant 976 : index
    %swap3A_1073 = tpu.vector_load %arg9[%swap3A_1072] {strides = array<i32>} : memref<1024xf32, #tpu.memory_space<vmem>>, vector<16xf32>,
    tpu.vector_store %arg9[%swap3A_1072], %gather3A_1039 {strides = array<i32>} : memref<1024xf32, #tpu.memory_space<vmem>>, vector<16xf32>,
    %swap3A_1074 = arith.constant 976 : index
    %swap3A_1075 = tpu.vector_load %arg10[%swap3A_1074] {strides = array<i32>} : memref<1024xf32, #tpu.memory_space<vmem>>, vector<16xf32>,
    tpu.vector_store %arg10[%swap3A_1074], %gather3A_1043 {strides = array<i32>} : memref<1024xf32, #tpu.memory_space<vmem>>, vector<16xf32>,
    %swap3A_1076 = arith.constant 976 : index
    %swap3A_1077 = tpu.vector_load %arg11[%swap3A_1076] {strides = array<i32>} : memref<1024xf32, #tpu.memory_space<vmem>>, vector<16xf32>,
    tpu.vector_store %arg11[%swap3A_1076], %gather3A_1047 {strides = array<i32>} : memref<1024xf32, #tpu.memory_space<vmem>>, vector<16xf32>,
    %swap3A_1078 = arith.constant 992 : index
    %swap3A_1079 = tpu.vector_load %arg9[%swap3A_1078] {strides = array<i32>} : memref<1024xf32, #tpu.memory_space<vmem>>, vector<16xf32>,
    tpu.vector_store %arg9[%swap3A_1078], %gather3A_1048 {strides = array<i32>} : memref<1024xf32, #tpu.memory_space<vmem>>, vector<16xf32>,
    %swap3A_1080 = arith.constant 992 : index
    %swap3A_1081 = tpu.vector_load %arg10[%swap3A_1080] {strides = array<i32>} : memref<1024xf32, #tpu.memory_space<vmem>>, vector<16xf32>,
    tpu.vector_store %arg10[%swap3A_1080], %gather3A_1052 {strides = array<i32>} : memref<1024xf32, #tpu.memory_space<vmem>>, vector<16xf32>,
    %swap3A_1082 = arith.constant 992 : index
    %swap3A_1083 = tpu.vector_load %arg11[%swap3A_1082] {strides = array<i32>} : memref<1024xf32, #tpu.memory_space<vmem>>, vector<16xf32>,
    tpu.vector_store %arg11[%swap3A_1082], %gather3A_1056 {strides = array<i32>} : memref<1024xf32, #tpu.memory_space<vmem>>, vector<16xf32>,
    %swap3A_1084 = arith.constant 1008 : index
    %swap3A_1085 = tpu.vector_load %arg9[%swap3A_1084] {strides = array<i32>} : memref<1024xf32, #tpu.memory_space<vmem>>, vector<16xf32>,
    tpu.vector_store %arg9[%swap3A_1084], %gather3A_1057 {strides = array<i32>} : memref<1024xf32, #tpu.memory_space<vmem>>, vector<16xf32>,
    %swap3A_1086 = arith.constant 1008 : index
    %swap3A_1087 = tpu.vector_load %arg10[%swap3A_1086] {strides = array<i32>} : memref<1024xf32, #tpu.memory_space<vmem>>, vector<16xf32>,
    tpu.vector_store %arg10[%swap3A_1086], %gather3A_1061 {strides = array<i32>} : memref<1024xf32, #tpu.memory_space<vmem>>, vector<16xf32>,
    %swap3A_1088 = arith.constant 1008 : index
    %swap3A_1089 = tpu.vector_load %arg11[%swap3A_1088] {strides = array<i32>} : memref<1024xf32, #tpu.memory_space<vmem>>, vector<16xf32>,
    tpu.vector_store %arg11[%swap3A_1088], %gather3A_1065 {strides = array<i32>} : memref<1024xf32, #tpu.memory_space<vmem>>, vector<16xf32>,
    %dma_start3A_1090 = tpu.memref_slice %arg4[%mul3A_2] : memref<16384xf32, #tpu.memory_space<hbm>> -> memref<1024xf32, #tpu.memory_space<hbm>>
    %dma_start3A_1091 = tpu.memref_slice %arg4[%mul3A_2] : memref<16384xf32, #tpu.memory_space<hbm>> -> memref<1024xf32, #tpu.memory_space<hbm>>
    tpu.enqueue_dma source(%arg9 : memref<1024xf32, #tpu.memory_space<vmem>>) target(%dma_start3A_1091 : memref<1024xf32, #tpu.memory_space<hbm>>) target_semaphore(%arg13 : memref<!tpu.dma_semaphore, #tpu.memory_space<semaphore_mem>>)
    %dma_start3A_1092 = tpu.memref_slice %arg5[%mul3A_2] : memref<16384xf32, #tpu.memory_space<hbm>> -> memref<1024xf32, #tpu.memory_space<hbm>>
    %dma_start3A_1093 = tpu.memref_slice %arg5[%mul3A_2] : memref<16384xf32, #tpu.memory_space<hbm>> -> memref<1024xf32, #tpu.memory_space<hbm>>
    tpu.enqueue_dma source(%arg10 : memref<1024xf32, #tpu.memory_space<vmem>>) target(%dma_start3A_1093 : memref<1024xf32, #tpu.memory_space<hbm>>) target_semaphore(%arg13 : memref<!tpu.dma_semaphore, #tpu.memory_space<semaphore_mem>>)
    %dma_start3A_1094 = tpu.memref_slice %arg6[%mul3A_2] : memref<16384xf32, #tpu.memory_space<hbm>> -> memref<1024xf32, #tpu.memory_space<hbm>>
    %dma_start3A_1095 = tpu.memref_slice %arg6[%mul3A_2] : memref<16384xf32, #tpu.memory_space<hbm>> -> memref<1024xf32, #tpu.memory_space<hbm>>
    tpu.enqueue_dma source(%arg11 : memref<1024xf32, #tpu.memory_space<vmem>>) target(%dma_start3A_1095 : memref<1024xf32, #tpu.memory_space<hbm>>) target_semaphore(%arg13 : memref<!tpu.dma_semaphore, #tpu.memory_space<semaphore_mem>>)
    %dma_wait3A_1096 = tpu.memref_slice %arg4[%mul3A_2] : memref<16384xf32, #tpu.memory_space<hbm>> -> memref<1024xf32, #tpu.memory_space<hbm>>
    %dma_wait3A_1097 = tpu.memref_slice %arg4[%mul3A_2] : memref<16384xf32, #tpu.memory_space<hbm>> -> memref<1024xf32, #tpu.memory_space<hbm>>
    tpu.wait_dma2 semaphore(%arg13 : memref<!tpu.dma_semaphore, #tpu.memory_space<semaphore_mem>>) src(%arg9 : memref<1024xf32, #tpu.memory_space<vmem>>) dst(%dma_wait3A_1097 : memref<1024xf32, #tpu.memory_space<hbm>>)
    %dma_wait3A_1098 = tpu.memref_slice %arg5[%mul3A_2] : memref<16384xf32, #tpu.memory_space<hbm>> -> memref<1024xf32, #tpu.memory_space<hbm>>
    %dma_wait3A_1099 = tpu.memref_slice %arg5[%mul3A_2] : memref<16384xf32, #tpu.memory_space<hbm>> -> memref<1024xf32, #tpu.memory_space<hbm>>
    tpu.wait_dma2 semaphore(%arg13 : memref<!tpu.dma_semaphore, #tpu.memory_space<semaphore_mem>>) src(%arg10 : memref<1024xf32, #tpu.memory_space<vmem>>) dst(%dma_wait3A_1099 : memref<1024xf32, #tpu.memory_space<hbm>>)
    %dma_wait3A_1100 = tpu.memref_slice %arg6[%mul3A_2] : memref<16384xf32, #tpu.memory_space<hbm>> -> memref<1024xf32, #tpu.memory_space<hbm>>
    %dma_wait3A_1101 = tpu.memref_slice %arg6[%mul3A_2] : memref<16384xf32, #tpu.memory_space<hbm>> -> memref<1024xf32, #tpu.memory_space<hbm>>
    tpu.wait_dma2 semaphore(%arg13 : memref<!tpu.dma_semaphore, #tpu.memory_space<semaphore_mem>>) src(%arg11 : memref<1024xf32, #tpu.memory_space<vmem>>) dst(%dma_wait3A_1101 : memref<1024xf32, #tpu.memory_space<hbm>>)
    return
  }
}

</mosaic_0001>

<sc_bundles>
// kernel: kernel.3.cloned.1.call-start
scs
__scs_entry_jumppad:
0x0: {  	(pc) =	sbr.rel $0x88, $3  }
0x1: {  	(tag) =	ssettag $0x0;
	lr =	simm.s32 $0x1  }
0x2: {  	[smem:$0x3F9D] =	sst lr;
	_ =	strace $0xD0000000  }
0x3: {  	_ = 	snop  }
0x4: {  	_ = 	snop  }
0x5: {  	_ = 	snop  }
0x6: {  	_ = 	snop  }
0x7: {  	_ = 	snop  }
__scs_overlays_trampoline_lowered:
0x8: {  	[smem:$0x3FAC] =	sst s0  }
0x9: {  	[smem:$0x3FAD] =	sst s1  }
0xa: {  	[smem:$0x3FAE] =	sst s2  }
0xb: {  	[smem:$0x3FAF] =	sst s3  }
0xc: {  	[smem:$0x3FB0] =	sst s4  }
0xd: {  	[smem:$0x3FB1] =	sst s5  }
0xe: {  	[smem:$0x3FB2] =	sst s6  }
0xf: {  	[smem:$0x3FB3] =	sst s7  }
0x10: {  	[smem:$0x3FB4] =	sst s8  }
0x11: {  	[smem:$0x3FB5] =	sst s9;
	s0 =	simm.s32 @!p0 $0x0  }
0x12: {  	s1 =	sld [smem:$0x3F9B];
	s0 =	simm.s32 @p0 $0x1  }
0x13: {  	[smem:$0x3FB6] =	sst s0;
	s0 =	simm.s32 @!p1 $0x0  }
0x14: {  	s2 =	sld [smem:$0x3F9A];
	s0 =	simm.s32 @p1 $0x1  }
0x15: {  	[smem:$0x3FB7] =	sst s0;
	s0 =	simm.s32 @!p2 $0x0  }
0x16: {  	s3 =	sld [smem:$0x3FDB];
	s0 =	simm.s32 @p2 $0x1  }
0x17: {  	s4 =	simm.s32 $0x1BF5;
	[smem:$0x3FB9] =	sst s0  }
0x18: {  	s0 =	sld [smem:$0x3F9C];
	_ =	swait.ge [sflag:s4], $0x0  }
0x19: {  	s7 =	sld [smem:$0x3F9D]  }
0x1a: {  	s8 =	sadd.s32 $0xFFFFE003, lr  }
0x1b: {  	s9 =	sadd.s32 $0xFFFFFEF7, lr;
	s5 =	simm.s32 $0xFFFFFFFF;
	p2 =	slt.u32 s8, $0xFFFFF086  }
0x1c: {  	p1 =	slt.u32 s9, $0xF7A;
	s5 =	simm.s32 @!p2 $0x0  }
0x1d: {  	s5 =	simm.s32 @p1 $0x1;
	p0 =	seq.s32 s7, s2  }
0x1e: {  	s7 =	smul.u32 @!p0 $0xF7A, s2;
	p2 =	seq.s32 @!p0 s5, $0x0  }
0x1f: {  	s9 =	smul.u32 $0xF7A, s1;
	s8 =	simm.s32 @!p0 $0x1BF5;
	p2 =	por !p2, p0  }
0x20: {  	[sflag:s8] =	ssyncset.s32 @!p0 $0xFFFFF086;
	s6 =	sadd.s32 @!p0 s3, s7;
	s7 =	simm.s32 @!p0 $0x108  }
0x21: {  	s3 =	sadd.s32 s3, s9;
	s6 =	sadd.s32 @!p0 $0x88, s6;
	s7 =	simm.s32 @p2 $0x1082  }
0x22: {  	[simem:s7], [sflag:s8] =	dma.local @!p0 [hbm:s6], $0xF7A  }
0x23: {  	s9 =	sor.u32 $0xD0000000, s2;
	s6 =	simm.s32 $0x108;
	_ =	swait.ge @!p0 [sflag:s8], $0x0  }
0x24: {  	s3 =	sadd.s32 $0x88, s3;
	s6 =	simm.s32 @!p1 $0x1082;
	[sflag:s4] =	ssyncset.s32 $0xFFFFF086  }
0x25: {  	[simem:s6], [sflag:s4] =	dma.local [hbm:s3], $0xF7A  }
0x26: {  	[smem:$0x3F9D] =	sst s1;
	(tag) =	ssettag s2;
	_ =	strace s9  }
0x27: {  	s1 =	sld [smem:$0x3FAD]  }
0x28: {  	s2 =	sld [smem:$0x3FAE]  }
0x29: {  	s4 =	sld [smem:$0x3FB0]  }
0x2a: {  	p0 =	seq.s32 s5, $0x0;
	s5 =	sld [smem:$0x3FB1]  }
0x2b: {  	s6 =	sld [smem:$0x3FB2]  }
0x2c: {  	s7 =	sld [smem:$0x3FB3]  }
0x2d: {  	s3 =	simm.s32 $0x108;
	s8 =	sld [smem:$0x3FB4]  }
0x2e: {  	s3 =	simm.s32 @!p0 $0x1082;
	s9 =	sld [smem:$0x3FB5]  }
0x2f: {  	lr =	sadd.s32 s0, s3;
	s0 =	sld [smem:$0x3FAC]  }
0x30: {  	s3 =	sld [smem:$0x3FAF]  }
0x31: {  	[smem:$0x3FB8] =	sst s10  }
0x32: {  	s10 =	sld [smem:$0x3FB6];
	_ =	sdelay $0x3  }
0x33: {  	p0 =	seq.s32 s10, $0x1;
	s10 =	sld [smem:$0x3FB8];
	_ =	sdelay $0x3  }
0x34: {  	[smem:$0x3FB8] =	sst s10  }
0x35: {  	s10 =	sld [smem:$0x3FB7];
	_ =	sdelay $0x3  }
0x36: {  	p1 =	seq.s32 s10, $0x1;
	s10 =	sld [smem:$0x3FB8];
	_ =	sdelay $0x3  }
0x37: {  	[smem:$0x3FB8] =	sst s10  }
0x38: {  	s10 =	sld [smem:$0x3FB9]  }
0x39: {  	_ = 	snop;
	(pc) =	sbr.ind lr, $3  }
0x3a: {  	_ = 	snop  }
0x3b: {  	_ = 	snop  }
0x3c: {  	p2 =	seq.s32 s10, $0x1;
	s10 =	sld [smem:$0x3FB8]  }
0x3d: {  	_ =	shalt  }
0x3e: {  	_ =	shalt  }
0x3f: {  	_ =	shalt  }
0x40: {  	_ =	shalt  }
0x41: {  	_ =	shalt  }
0x42: {  	_ =	shalt  }
0x43: {  	_ =	shalt  }
0x44: {  	_ =	shalt  }
0x45: {  	_ =	shalt  }
0x46: {  	_ =	shalt  }
0x47: {  	_ =	shalt  }
0x48: {  	_ =	shalt  }
0x49: {  	_ =	shalt  }
0x4a: {  	_ =	shalt  }
0x4b: {  	_ =	shalt  }
0x4c: {  	_ =	shalt  }
0x4d: {  	_ =	shalt  }
0x4e: {  	_ =	shalt  }
0x4f: {  	_ =	shalt  }
0x50: {  	_ =	shalt  }
0x51: {  	_ =	shalt  }
0x52: {  	_ =	shalt  }
0x53: {  	_ =	shalt  }
0x54: {  	_ =	shalt  }
0x55: {  	_ =	shalt  }
0x56: {  	_ =	shalt  }
0x57: {  	_ =	shalt  }
0x58: {  	_ =	shalt  }
0x59: {  	_ =	shalt  }
0x5a: {  	_ =	shalt  }
0x5b: {  	_ =	shalt  }
0x5c: {  	_ =	shalt  }
0x5d: {  	_ =	shalt  }
0x5e: {  	_ =	shalt  }
0x5f: {  	_ =	shalt  }
0x60: {  	_ =	shalt  }
0x61: {  	_ =	shalt  }
0x62: {  	_ =	shalt  }
0x63: {  	_ =	shalt  }
0x64: {  	_ =	shalt  }
0x65: {  	_ =	shalt  }
0x66: {  	_ =	shalt  }
0x67: {  	_ =	shalt  }
0x68: {  	_ =	shalt  }
0x69: {  	_ =	shalt  }
0x6a: {  	_ =	shalt  }
0x6b: {  	_ =	shalt  }
0x6c: {  	_ =	shalt  }
0x6d: {  	_ =	shalt  }
0x6e: {  	_ =	shalt  }
0x6f: {  	_ =	shalt  }
0x70: {  	_ =	shalt  }
0x71: {  	_ =	shalt  }
0x72: {  	_ =	shalt  }
0x73: {  	_ =	shalt  }
0x74: {  	_ =	shalt  }
0x75: {  	_ =	shalt  }
0x76: {  	_ =	shalt  }
0x77: {  	_ =	shalt  }
0x78: {  	_ =	shalt  }
0x79: {  	_ =	shalt  }
0x7a: {  	_ =	shalt  }
0x7b: {  	_ =	shalt  }
0x7c: {  	_ =	shalt  }
0x7d: {  	_ =	shalt  }
0x7e: {  	_ =	shalt  }
0x7f: {  	_ =	shalt  }
0x80: {  	_ =	shalt  }
0x81: {  	_ =	shalt  }
0x82: {  	_ =	shalt  }
0x83: {  	_ =	shalt  }
0x84: {  	_ =	shalt  }
0x85: {  	_ =	shalt  }
0x86: {  	_ =	shalt  }
0x87: {  	_ =	shalt  }
.Lfunc_end0:
.L_simem_size_0:
called_computation_lowered:
.L_overlay_start_0:
0x88: {  	s0 =	sld [smem:$0x3FD9]  }
0x89: {  	s1 =	sld [smem:$0x3FFE];
	_ =	sdelay $0x3  }
0x8a: {  	s0 =	sadd.s32 s1, s0  }
0x8b: {  	[smem:$0x3FC4] =	sst s0  }
0x8c: {  	_ = 	snop  }
0x8d: {  	s0 =	sld [smem:$0x3FD0];
	_ =	sdelay $0x2  }
0x8e: {  	s2 =	simm.s32 $0xA;
	s3 =	simm.s32 $0x10;
	s13 =	sld [smem:$0x3FC6]  }
0x8f: {  	[smem:s3], [sflag:s2] =	dma.local [hbm:s0], $0x1  }
0x90: {  	_ =	swait.eq [sflag:s2], $0x1  }
0x91: {  	s14 =	sld [smem:$0x10];
	[sflag:s2] =	ssyncset.done $0x0  }
0x92: {  	s15 =	sld [smem:$0x11];
	[sflag:s2] =	ssyncadd.s32 $0xFFFFFFFF  }
0x93: {  	s16 =	sld [smem:$0x12];
	(tm) =	ssettm $0x1  }
0x94: {  	s4 =	sld [smem:$0x3FFB];
	_ =	sdelay $0x3  }
0x95: {  	_ =	strace s4  }
0x96: {  	s4 =	sld [smem:$0x3FFC];
	_ =	sdelay $0x3  }
0x97: {  	_ =	strace s4  }
0x98: {  	s4 =	sld [smem:$0x3FFD];
	_ =	sdelay $0x3  }
0x99: {  	_ =	strace s4  }
0x9a: {  	_ =	strace $0x8FFFFFFF  }
0x9b: {  	s17 =	sld [smem:$0x3FDB];
	_ =	sdelay $0x1  }
0x9c: {  	s5 =	simm.s32 $_scs_section_size  }
0x9d: {  	s6 =	simm.s32 $_size__tile_overlayer_lowered;
	s7 =	simm.s32 $_tile_overlayer_lowered  }
0x9e: {  	s20 =	simm.s32 $0x1BFF;
	s19 =	sshll.u32 s7, $0x1;
	s4 =	sadd.s32 s5, s17  }
0x9f: {  	s8 =	simm.s32 $0x0;
	s18 =	sshll.u32 s6, $0x1;
	s6 =	sadd.s32 s19, s4  }
0xa0: {  	[timem:s8], [sflag:s20] =	dma.local [hbm:s6], s18  }
0xa1: {  	_ =	swait.ge [sflag:s20], s18  }
0xa2: {  	s5 =	ssub.s32 $0x0, s18;
	[sflag:s20] =	ssyncset.done $0x0  }
0xa3: {  	[sflag:s20] =	ssyncadd.s32 s5;
	_ =	sdelay $0x1  }
0xa4: {  	s21 =	simm.s32 $0x1B8B  }
0xa5: {  	_ =	swait.ge [sflag:s21], $0x1  }
0xa6: {  	[sflag:s21] =	ssyncset.done $0x0  }
0xa7: {  	s23 =	simm.s32 $0x1B8E;
	s22 =	sld [smem:$0x3FFE];
	[sflag:s21] =	ssyncadd.s32 $0xFFFFFFFF  }
0xa8: {  	s24 =	simm.s32 $execute0_lowered;
	[smem:$0x3FD2] =	sst s23  }
0xa9: {  	s6 =	sshll.u32 s24, $0x1;
	_ =	strace $0x80000046;
	[dreg:$0x1] =	wrdreg $0xFFFFFFFF  }
0xaa: {  	s25 =	simm.s32 $_size_execute0_lowered;
	s4 =	sadd.s32 s4, s6;
	[dreg:$0x0] =	wrdreg $0x0  }
0xab: {  	s6 =	sshll.u32 s25, $0x1;
	[dreg:$0x2] =	wrdreg s4  }
0xac: {  	[dreg:$0x3] =	wrdreg s6  }
0xad: {  	[dreg:$0x4] =	wrdreg $0xC0  }
0xae: {  	_ =	task [dreg:s8], $0x5FFFF  }
0xaf: {  	[dreg:$0x1] =	wrdreg $0xFFFFFFFF  }
0xb0: {  	[dreg:$0x0] =	wrdreg $0x60  }
0xb1: {  	[dreg:$0x2] =	wrdreg s22  }
0xb2: {  	[dreg:$0x3] =	wrdreg s13  }
0xb3: {  	[dreg:$0x4] =	wrdreg s14  }
0xb4: {  	[dreg:$0x5] =	wrdreg s15  }
0xb5: {  	[dreg:$0x6] =	wrdreg s16  }
0xb6: {  	[dreg:$0x7] =	wrdreg $0x9  }
0xb7: {  	_ =	task.clear_ibuf [dreg:s8], $0x8FFFF;
	_ =	strace $0x90000046  }
0xb8: {  	s26 =	simm.s32 $0x9;
	_ =	strace $0x80000048  }
0xb9: {  	_ =	swait.ge [sflag:s26], $0x1  }
0xba: {  	[sflag:s26] =	ssyncadd.s32 $0xFFFFFFFF  }
0xbb: {  	_ =	strace $0x90000048  }
0xbc: {  	_ =	sfence  }
0xbd: {  	s28 =	sld [smem:$0x0];
	_ =	sdelay $0x1  }
0xbe: {  	s29 =	srdreg.scid  }
0xbf: {  	s30 =	sshll.u32 s29, $0xD;
	s31 =	sshrl.u32 s29, $0x2  }
0xc0: {  	s1 =	sand.u32 $0x1, s29;
	s2 =	sand.u32 $0x4000, s30;
	s0 =	sadd.s32 s31, s28  }
0xc1: {  	s1 =	sor.u32 s2, s1;
	s0 =	sshll.u32 s0, $0x11  }
0xc2: {  	s0 =	sor.u32 s0, s1  }
0xc3: {  	s0 =	sadd.s32 $0x8F2B, s0  }
0xc4: {  	[sflag:s0] =	ssyncadd.remote.s32 $0x1  }
0xc5: {  	_ =	sfence.sel $0xFFFF  }
0xc6: {  	[dreg:$0x0] =	wrdreg $0xFFFFFFFF;
	(pc) =	sbr.abs _section_cstart, $3  }
0xc7: {  	[dreg:$0x1] =	wrdreg $0xFFFFFFFF  }
0xc8: {  	_ =	task.clear_ibuf [dreg:s8], $0x2FFFF;
	_ =	strace $0x9FFFFFFF  }
0xc9: {  	(tm) =	ssettm $0x7FFFFFFF  }
tec
execute0_lowered:
.L_overlay_start_1:
0x0: {  	(tag) =	ssettag $0x1  }
0x1: {  	s6 =	rddreg [dreg:$0x0]  }
0x2: {  	s7 =	rddreg [dreg:$0x1]  }
0x3: {  	s5 =	rddreg [dreg:$0x2]  }
0x4: {  	s4 =	rddreg [dreg:$0x3]  }
0x5: {  	s2 =	rddreg [dreg:$0x4]  }
0x6: {  	s0 =	rddreg [dreg:$0x5];
	s3 =	simm.s32 $0x0  }
0x7: {  	s1 =	stileid.u32;
	[smem:$0x7FF] =	sst s3  }
0x8: {  	s8 =	sadd.s32 $0x800, s6;
	s24 =	sshll.u32 s1, $0x7;
	_ =	strace $0x80000047  }
0x9: {  	[tilespmem:s3], [sflag:$0x1] =	stream.linear.gather [hbm4b:s8+s3], $0xC00, $0x38;
	[tilespmem:$0x1C00] =	vst v63  }
0xa: {  	s25 =	simm.s32 $0xC00;
	s26 =	simm.s32 $0x1;
	s7 =	sadd.s32 s7, s24  }
0xb: {  	[tilespmem:s25], [sflag:$0x1] =	stream.linear.gather [hbm4b:s7+s3], $0x400, $0x38;
	[tilespmem:$0x1C00] =	vst v63  }
0xc: {  	_ =	swait.ge [sflag:s26], $0x400  }
0xd: {  	[sflag:s26] =	ssyncset.done $0x0  }
0xe: {  	[sflag:s26] =	ssyncadd.s32 $0xFFFFFC00  }
0xf: {  	_ =	swait.ge [sflag:s26], $0xC00  }
0x10: {  	[sflag:s26] =	ssyncset.done $0x0  }
0x11: {  	[sflag:s26] =	ssyncadd.s32 $0xFFFFF400  }
0x12: {  	v0 =	vld [tilespmem:$0xC00]  }
0x13: {  	v1 =	vld [tilespmem:$0xC10]  }
0x14: {  	v3 =	vld [tilespmem:$0xC20]  }
0x15: {  	v5 =	vld [tilespmem:$0xC30];
	_ =	sdelay $0x3  }
0x16: {  	v2 =	vadd.s32 $0x3E8, v0  }
0x17: {  	v4 =	vadd.s32 $0x7D0, v0;
	v0 =	vld.idx.msk [tilespmem:v0+s3+$0x0], $0xffff  }
0x18: {  	v6 =	vadd.s32 $0x3E8, v1;
	v7 =	vadd.s32 $0x7D0, v1;
	v1 =	vld.idx.msk [tilespmem:v1+s3+$0x0], $0xffff  }
0x19: {  	v8 =	vadd.s32 $0x3E8, v3;
	v9 =	vadd.s32 $0x7D0, v3;
	v3 =	vld.idx.msk [tilespmem:v3+s3+$0x0], $0xffff  }
0x1a: {  	v10 =	vadd.s32 $0x3E8, v5;
	v11 =	vadd.s32 $0x7D0, v5;
	v5 =	vld.idx.msk [tilespmem:v5+s3+$0x0], $0xffff  }
0x1b: {  	v2 =	vld.idx.msk [tilespmem:v2+s3+$0x0], $0xffff  }
0x1c: {  	v4 =	vld.idx.msk [tilespmem:v4+s3+$0x0], $0xffff  }
0x1d: {  	v6 =	vld.idx.msk [tilespmem:v6+s3+$0x0], $0xffff  }
0x1e: {  	v7 =	vld.idx.msk [tilespmem:v7+s3+$0x0], $0xffff  }
0x1f: {  	v8 =	vld.idx.msk [tilespmem:v8+s3+$0x0], $0xffff  }
0x20: {  	v9 =	vld.idx.msk [tilespmem:v9+s3+$0x0], $0xffff  }
0x21: {  	v10 =	vld.idx.msk [tilespmem:v10+s3+$0x0], $0xffff  }
0x22: {  	v11 =	vld.idx.msk [tilespmem:v11+s3+$0x0], $0xffff;
	[tilespmem:$0x1000] =	vst v0  }
0x23: {  	[tilespmem:$0x1010] =	vst v1  }
0x24: {  	[tilespmem:$0x1020] =	vst v3  }
0x25: {  	v40 =	vld [tilespmem:$0xC40];
	[tilespmem:$0x1030] =	vst v5  }
0x26: {  	[tilespmem:$0x1400] =	vst v2  }
0x27: {  	[tilespmem:$0x1800] =	vst v4  }
0x28: {  	v41 =	vld [tilespmem:$0xC50];
	[tilespmem:$0x1410] =	vst v6  }
0x29: {  	[tilespmem:$0x1810] =	vst v7  }
0x2a: {  	v42 =	vadd.s32 $0x3E8, v40;
	[tilespmem:$0x1420] =	vst v8  }
0x2b: {  	v43 =	vld [tilespmem:$0xC60];
	v44 =	vadd.s32 $0x7D0, v40;
	[tilespmem:$0x1820] =	vst v9  }
0x2c: {  	[tilespmem:$0x1430] =	vst v10  }
0x2d: {  	v45 =	vld [tilespmem:$0xC70];
	v46 =	vadd.s32 $0x3E8, v41;
	[tilespmem:$0x1830] =	vst v11  }
0x2e: {  	v47 =	vadd.s32 $0x7D0, v41;
	v0 =	vld.idx.msk [tilespmem:v40+s3+$0x0], $0xffff  }
0x2f: {  	v2 =	vld.idx.msk [tilespmem:v42+s3+$0x0], $0xffff  }
0x30: {  	v48 =	vadd.s32 $0x3E8, v43;
	v4 =	vld.idx.msk [tilespmem:v44+s3+$0x0], $0xffff  }
0x31: {  	v49 =	vadd.s32 $0x7D0, v43;
	v1 =	vld.idx.msk [tilespmem:v41+s3+$0x0], $0xffff  }
0x32: {  	v6 =	vld.idx.msk [tilespmem:v46+s3+$0x0], $0xffff  }
0x33: {  	v50 =	vadd.s32 $0x3E8, v45;
	v7 =	vld.idx.msk [tilespmem:v47+s3+$0x0], $0xffff  }
0x34: {  	v51 =	vadd.s32 $0x7D0, v45;
	v3 =	vld.idx.msk [tilespmem:v43+s3+$0x0], $0xffff  }
0x35: {  	v8 =	vld.idx.msk [tilespmem:v48+s3+$0x0], $0xffff  }
0x36: {  	v9 =	vld.idx.msk [tilespmem:v49+s3+$0x0], $0xffff  }
0x37: {  	v5 =	vld.idx.msk [tilespmem:v45+s3+$0x0], $0xffff  }
0x38: {  	v10 =	vld.idx.msk [tilespmem:v50+s3+$0x0], $0xffff  }
0x39: {  	v11 =	vld.idx.msk [tilespmem:v51+s3+$0x0], $0xffff;
	[tilespmem:$0x1040] =	vst v0  }
0x3a: {  	[tilespmem:$0x1440] =	vst v2  }
0x3b: {  	[tilespmem:$0x1840] =	vst v4  }
0x3c: {  	v52 =	vld [tilespmem:$0xC80];
	[tilespmem:$0x1050] =	vst v1  }
0x3d: {  	[tilespmem:$0x1450] =	vst v6  }
0x3e: {  	[tilespmem:$0x1850] =	vst v7  }
0x3f: {  	v53 =	vld [tilespmem:$0xC90];
	[tilespmem:$0x1060] =	vst v3  }
0x40: {  	[tilespmem:$0x1460] =	vst v8  }
0x41: {  	v54 =	vadd.s32 $0x3E8, v52;
	[tilespmem:$0x1860] =	vst v9  }
0x42: {  	v55 =	vld [tilespmem:$0xCA0];
	v56 =	vadd.s32 $0x7D0, v52;
	[tilespmem:$0x1070] =	vst v5  }
0x43: {  	[tilespmem:$0x1470] =	vst v10  }
0x44: {  	v57 =	vld [tilespmem:$0xCB0];
	v58 =	vadd.s32 $0x3E8, v53;
	[tilespmem:$0x1870] =	vst v11  }
0x45: {  	v59 =	vadd.s32 $0x7D0, v53;
	v0 =	vld.idx.msk [tilespmem:v52+s3+$0x0], $0xffff  }
0x46: {  	v2 =	vld.idx.msk [tilespmem:v54+s3+$0x0], $0xffff  }
0x47: {  	v60 =	vadd.s32 $0x3E8, v55;
	v4 =	vld.idx.msk [tilespmem:v56+s3+$0x0], $0xffff  }
0x48: {  	v61 =	vadd.s32 $0x7D0, v55;
	v1 =	vld.idx.msk [tilespmem:v53+s3+$0x0], $0xffff  }
0x49: {  	v6 =	vld.idx.msk [tilespmem:v58+s3+$0x0], $0xffff  }
0x4a: {  	v62 =	vadd.s32 $0x3E8, v57;
	v7 =	vld.idx.msk [tilespmem:v59+s3+$0x0], $0xffff  }
0x4b: {  	v63 =	vadd.s32 $0x7D0, v57;
	v3 =	vld.idx.msk [tilespmem:v55+s3+$0x0], $0xffff  }
0x4c: {  	v8 =	vld.idx.msk [tilespmem:v60+s3+$0x0], $0xffff  }
0x4d: {  	v9 =	vld.idx.msk [tilespmem:v61+s3+$0x0], $0xffff  }
0x4e: {  	v5 =	vld.idx.msk [tilespmem:v57+s3+$0x0], $0xffff  }
0x4f: {  	v10 =	vld.idx.msk [tilespmem:v62+s3+$0x0], $0xffff  }
0x50: {  	v11 =	vld.idx.msk [tilespmem:v63+s3+$0x0], $0xffff;
	[tilespmem:$0x1080] =	vst v0  }
0x51: {  	[tilespmem:$0x1480] =	vst v2  }
0x52: {  	[tilespmem:$0x1880] =	vst v4  }
0x53: {  	v12 =	vld [tilespmem:$0xCC0];
	[tilespmem:$0x1090] =	vst v1  }
0x54: {  	[tilespmem:$0x1490] =	vst v6  }
0x55: {  	[tilespmem:$0x1890] =	vst v7  }
0x56: {  	v13 =	vld [tilespmem:$0xCD0];
	[tilespmem:$0x10A0] =	vst v3  }
0x57: {  	[tilespmem:$0x14A0] =	vst v8  }
0x58: {  	v14 =	vadd.s32 $0x3E8, v12;
	[tilespmem:$0x18A0] =	vst v9  }
0x59: {  	v15 =	vld [tilespmem:$0xCE0];
	v16 =	vadd.s32 $0x7D0, v12;
	[tilespmem:$0x10B0] =	vst v5  }
0x5a: {  	[tilespmem:$0x14B0] =	vst v10  }
0x5b: {  	v17 =	vld [tilespmem:$0xCF0];
	v18 =	vadd.s32 $0x3E8, v13;
	[tilespmem:$0x18B0] =	vst v11  }
0x5c: {  	v19 =	vadd.s32 $0x7D0, v13;
	v0 =	vld.idx.msk [tilespmem:v12+s3+$0x0], $0xffff  }
0x5d: {  	v2 =	vld.idx.msk [tilespmem:v14+s3+$0x0], $0xffff  }
0x5e: {  	v20 =	vadd.s32 $0x3E8, v15;
	v4 =	vld.idx.msk [tilespmem:v16+s3+$0x0], $0xffff  }
0x5f: {  	v21 =	vadd.s32 $0x7D0, v15;
	v1 =	vld.idx.msk [tilespmem:v13+s3+$0x0], $0xffff  }
0x60: {  	v6 =	vld.idx.msk [tilespmem:v18+s3+$0x0], $0xffff  }
0x61: {  	v22 =	vadd.s32 $0x3E8, v17;
	v7 =	vld.idx.msk [tilespmem:v19+s3+$0x0], $0xffff  }
0x62: {  	v23 =	vadd.s32 $0x7D0, v17;
	v3 =	vld.idx.msk [tilespmem:v15+s3+$0x0], $0xffff  }
0x63: {  	v8 =	vld.idx.msk [tilespmem:v20+s3+$0x0], $0xffff  }
0x64: {  	v9 =	vld.idx.msk [tilespmem:v21+s3+$0x0], $0xffff  }
0x65: {  	v5 =	vld.idx.msk [tilespmem:v17+s3+$0x0], $0xffff  }
0x66: {  	v10 =	vld.idx.msk [tilespmem:v22+s3+$0x0], $0xffff  }
0x67: {  	v11 =	vld.idx.msk [tilespmem:v23+s3+$0x0], $0xffff;
	[tilespmem:$0x10C0] =	vst v0  }
0x68: {  	[tilespmem:$0x14C0] =	vst v2  }
0x69: {  	[tilespmem:$0x18C0] =	vst v4  }
0x6a: {  	v24 =	vld [tilespmem:$0xD00];
	[tilespmem:$0x10D0] =	vst v1  }
0x6b: {  	[tilespmem:$0x14D0] =	vst v6  }
0x6c: {  	[tilespmem:$0x18D0] =	vst v7  }
0x6d: {  	v25 =	vld [tilespmem:$0xD10];
	[tilespmem:$0x10E0] =	vst v3  }
0x6e: {  	[tilespmem:$0x14E0] =	vst v8  }
0x6f: {  	v26 =	vadd.s32 $0x3E8, v24;
	[tilespmem:$0x18E0] =	vst v9  }
0x70: {  	v27 =	vld [tilespmem:$0xD20];
	v28 =	vadd.s32 $0x7D0, v24;
	[tilespmem:$0x10F0] =	vst v5  }
0x71: {  	[tilespmem:$0x14F0] =	vst v10  }
0x72: {  	v29 =	vld [tilespmem:$0xD30];
	v30 =	vadd.s32 $0x3E8, v25;
	[tilespmem:$0x18F0] =	vst v11  }
0x73: {  	v31 =	vadd.s32 $0x7D0, v25;
	v0 =	vld.idx.msk [tilespmem:v24+s3+$0x0], $0xffff  }
0x74: {  	v2 =	vld.idx.msk [tilespmem:v26+s3+$0x0], $0xffff  }
0x75: {  	v32 =	vadd.s32 $0x3E8, v27;
	v4 =	vld.idx.msk [tilespmem:v28+s3+$0x0], $0xffff  }
0x76: {  	v33 =	vadd.s32 $0x7D0, v27;
	v1 =	vld.idx.msk [tilespmem:v25+s3+$0x0], $0xffff  }
0x77: {  	v6 =	vld.idx.msk [tilespmem:v30+s3+$0x0], $0xffff  }
0x78: {  	v34 =	vadd.s32 $0x3E8, v29;
	v7 =	vld.idx.msk [tilespmem:v31+s3+$0x0], $0xffff  }
0x79: {  	v35 =	vadd.s32 $0x7D0, v29;
	v3 =	vld.idx.msk [tilespmem:v27+s3+$0x0], $0xffff  }
0x7a: {  	v8 =	vld.idx.msk [tilespmem:v32+s3+$0x0], $0xffff  }
0x7b: {  	v9 =	vld.idx.msk [tilespmem:v33+s3+$0x0], $0xffff  }
0x7c: {  	v5 =	vld.idx.msk [tilespmem:v29+s3+$0x0], $0xffff  }
0x7d: {  	v10 =	vld.idx.msk [tilespmem:v34+s3+$0x0], $0xffff  }
0x7e: {  	v11 =	vld.idx.msk [tilespmem:v35+s3+$0x0], $0xffff;
	[tilespmem:$0x1100] =	vst v0  }
0x7f: {  	[tilespmem:$0x1500] =	vst v2  }
0x80: {  	[tilespmem:$0x1900] =	vst v4  }
0x81: {  	v36 =	vld [tilespmem:$0xD40];
	[tilespmem:$0x1110] =	vst v1  }
0x82: {  	[tilespmem:$0x1510] =	vst v6  }
0x83: {  	[tilespmem:$0x1910] =	vst v7  }
0x84: {  	v37 =	vld [tilespmem:$0xD50];
	[tilespmem:$0x1120] =	vst v3  }
0x85: {  	[tilespmem:$0x1520] =	vst v8  }
0x86: {  	v38 =	vadd.s32 $0x3E8, v36;
	[tilespmem:$0x1920] =	vst v9  }
0x87: {  	v39 =	vld [tilespmem:$0xD60];
	v40 =	vadd.s32 $0x7D0, v36;
	[tilespmem:$0x1130] =	vst v5  }
0x88: {  	[tilespmem:$0x1530] =	vst v10  }
0x89: {  	v41 =	vld [tilespmem:$0xD70];
	v42 =	vadd.s32 $0x3E8, v37;
	[tilespmem:$0x1930] =	vst v11  }
0x8a: {  	v43 =	vadd.s32 $0x7D0, v37;
	v0 =	vld.idx.msk [tilespmem:v36+s3+$0x0], $0xffff  }
0x8b: {  	v2 =	vld.idx.msk [tilespmem:v38+s3+$0x0], $0xffff  }
0x8c: {  	v44 =	vadd.s32 $0x3E8, v39;
	v4 =	vld.idx.msk [tilespmem:v40+s3+$0x0], $0xffff  }
0x8d: {  	v45 =	vadd.s32 $0x7D0, v39;
	v1 =	vld.idx.msk [tilespmem:v37+s3+$0x0], $0xffff  }
0x8e: {  	v6 =	vld.idx.msk [tilespmem:v42+s3+$0x0], $0xffff  }
0x8f: {  	v46 =	vadd.s32 $0x3E8, v41;
	v7 =	vld.idx.msk [tilespmem:v43+s3+$0x0], $0xffff  }
0x90: {  	v47 =	vadd.s32 $0x7D0, v41;
	v3 =	vld.idx.msk [tilespmem:v39+s3+$0x0], $0xffff  }
0x91: {  	v8 =	vld.idx.msk [tilespmem:v44+s3+$0x0], $0xffff  }
0x92: {  	v9 =	vld.idx.msk [tilespmem:v45+s3+$0x0], $0xffff  }
0x93: {  	v5 =	vld.idx.msk [tilespmem:v41+s3+$0x0], $0xffff  }
0x94: {  	v10 =	vld.idx.msk [tilespmem:v46+s3+$0x0], $0xffff  }
0x95: {  	v11 =	vld.idx.msk [tilespmem:v47+s3+$0x0], $0xffff;
	[tilespmem:$0x1140] =	vst v0  }
0x96: {  	[tilespmem:$0x1540] =	vst v2  }
0x97: {  	[tilespmem:$0x1940] =	vst v4  }
0x98: {  	v48 =	vld [tilespmem:$0xD80];
	[tilespmem:$0x1150] =	vst v1  }
0x99: {  	[tilespmem:$0x1550] =	vst v6  }
0x9a: {  	[tilespmem:$0x1950] =	vst v7  }
0x9b: {  	v49 =	vld [tilespmem:$0xD90];
	[tilespmem:$0x1160] =	vst v3  }
0x9c: {  	[tilespmem:$0x1560] =	vst v8  }
0x9d: {  	v50 =	vadd.s32 $0x3E8, v48;
	[tilespmem:$0x1960] =	vst v9  }
0x9e: {  	v51 =	vld [tilespmem:$0xDA0];
	v52 =	vadd.s32 $0x7D0, v48;
	[tilespmem:$0x1170] =	vst v5  }
0x9f: {  	[tilespmem:$0x1570] =	vst v10  }
0xa0: {  	v53 =	vld [tilespmem:$0xDB0];
	v54 =	vadd.s32 $0x3E8, v49;
	[tilespmem:$0x1970] =	vst v11  }
0xa1: {  	v55 =	vadd.s32 $0x7D0, v49;
	v0 =	vld.idx.msk [tilespmem:v48+s3+$0x0], $0xffff  }
0xa2: {  	v2 =	vld.idx.msk [tilespmem:v50+s3+$0x0], $0xffff  }
0xa3: {  	v56 =	vadd.s32 $0x3E8, v51;
	v4 =	vld.idx.msk [tilespmem:v52+s3+$0x0], $0xffff  }
0xa4: {  	v57 =	vadd.s32 $0x7D0, v51;
	v1 =	vld.idx.msk [tilespmem:v49+s3+$0x0], $0xffff  }
0xa5: {  	v6 =	vld.idx.msk [tilespmem:v54+s3+$0x0], $0xffff  }
0xa6: {  	v58 =	vadd.s32 $0x3E8, v53;
	v7 =	vld.idx.msk [tilespmem:v55+s3+$0x0], $0xffff  }
0xa7: {  	v59 =	vadd.s32 $0x7D0, v53;
	v3 =	vld.idx.msk [tilespmem:v51+s3+$0x0], $0xffff  }
0xa8: {  	v8 =	vld.idx.msk [tilespmem:v56+s3+$0x0], $0xffff  }
0xa9: {  	v9 =	vld.idx.msk [tilespmem:v57+s3+$0x0], $0xffff  }
0xaa: {  	v5 =	vld.idx.msk [tilespmem:v53+s3+$0x0], $0xffff  }
0xab: {  	v10 =	vld.idx.msk [tilespmem:v58+s3+$0x0], $0xffff  }
0xac: {  	v11 =	vld.idx.msk [tilespmem:v59+s3+$0x0], $0xffff;
	[tilespmem:$0x1180] =	vst v0  }
0xad: {  	[tilespmem:$0x1580] =	vst v2  }
0xae: {  	[tilespmem:$0x1980] =	vst v4  }
0xaf: {  	v60 =	vld [tilespmem:$0xDC0];
	[tilespmem:$0x1190] =	vst v1  }
0xb0: {  	[tilespmem:$0x1590] =	vst v6  }
0xb1: {  	[tilespmem:$0x1990] =	vst v7  }
0xb2: {  	v61 =	vld [tilespmem:$0xDD0];
	[tilespmem:$0x11A0] =	vst v3  }
0xb3: {  	[tilespmem:$0x15A0] =	vst v8  }
0xb4: {  	v62 =	vadd.s32 $0x3E8, v60;
	[tilespmem:$0x19A0] =	vst v9  }
0xb5: {  	v63 =	vld [tilespmem:$0xDE0];
	v12 =	vadd.s32 $0x7D0, v60;
	[tilespmem:$0x11B0] =	vst v5  }
0xb6: {  	[tilespmem:$0x15B0] =	vst v10  }
0xb7: {  	v13 =	vld [tilespmem:$0xDF0];
	v14 =	vadd.s32 $0x3E8, v61;
	[tilespmem:$0x19B0] =	vst v11  }
0xb8: {  	v15 =	vadd.s32 $0x7D0, v61;
	v0 =	vld.idx.msk [tilespmem:v60+s3+$0x0], $0xffff  }
0xb9: {  	v2 =	vld.idx.msk [tilespmem:v62+s3+$0x0], $0xffff  }
0xba: {  	v16 =	vadd.s32 $0x3E8, v63;
	v4 =	vld.idx.msk [tilespmem:v12+s3+$0x0], $0xffff  }
0xbb: {  	v17 =	vadd.s32 $0x7D0, v63;
	v1 =	vld.idx.msk [tilespmem:v61+s3+$0x0], $0xffff  }
0xbc: {  	v6 =	vld.idx.msk [tilespmem:v14+s3+$0x0], $0xffff  }
0xbd: {  	v18 =	vadd.s32 $0x3E8, v13;
	v7 =	vld.idx.msk [tilespmem:v15+s3+$0x0], $0xffff  }
0xbe: {  	v19 =	vadd.s32 $0x7D0, v13;
	v3 =	vld.idx.msk [tilespmem:v63+s3+$0x0], $0xffff  }
0xbf: {  	v8 =	vld.idx.msk [tilespmem:v16+s3+$0x0], $0xffff  }
0xc0: {  	v9 =	vld.idx.msk [tilespmem:v17+s3+$0x0], $0xffff  }
0xc1: {  	v5 =	vld.idx.msk [tilespmem:v13+s3+$0x0], $0xffff  }
0xc2: {  	v10 =	vld.idx.msk [tilespmem:v18+s3+$0x0], $0xffff  }
0xc3: {  	v11 =	vld.idx.msk [tilespmem:v19+s3+$0x0], $0xffff;
	[tilespmem:$0x11C0] =	vst v0  }
0xc4: {  	[tilespmem:$0x15C0] =	vst v2  }
0xc5: {  	[tilespmem:$0x19C0] =	vst v4  }
0xc6: {  	v20 =	vld [tilespmem:$0xE00];
	[tilespmem:$0x11D0] =	vst v1  }
0xc7: {  	[tilespmem:$0x15D0] =	vst v6  }
0xc8: {  	[tilespmem:$0x19D0] =	vst v7  }
0xc9: {  	v21 =	vld [tilespmem:$0xE10];
	[tilespmem:$0x11E0] =	vst v3  }
0xca: {  	[tilespmem:$0x15E0] =	vst v8  }
0xcb: {  	v22 =	vadd.s32 $0x3E8, v20;
	[tilespmem:$0x19E0] =	vst v9  }
0xcc: {  	v23 =	vld [tilespmem:$0xE20];
	v24 =	vadd.s32 $0x7D0, v20;
	[tilespmem:$0x11F0] =	vst v5  }
0xcd: {  	[tilespmem:$0x15F0] =	vst v10  }
0xce: {  	v25 =	vld [tilespmem:$0xE30];
	v26 =	vadd.s32 $0x3E8, v21;
	[tilespmem:$0x19F0] =	vst v11  }
0xcf: {  	v27 =	vadd.s32 $0x7D0, v21;
	v0 =	vld.idx.msk [tilespmem:v20+s3+$0x0], $0xffff  }
0xd0: {  	v2 =	vld.idx.msk [tilespmem:v22+s3+$0x0], $0xffff  }
0xd1: {  	v28 =	vadd.s32 $0x3E8, v23;
	v4 =	vld.idx.msk [tilespmem:v24+s3+$0x0], $0xffff  }
0xd2: {  	v29 =	vadd.s32 $0x7D0, v23;
	v1 =	vld.idx.msk [tilespmem:v21+s3+$0x0], $0xffff  }
0xd3: {  	v6 =	vld.idx.msk [tilespmem:v26+s3+$0x0], $0xffff  }
0xd4: {  	v30 =	vadd.s32 $0x3E8, v25;
	v7 =	vld.idx.msk [tilespmem:v27+s3+$0x0], $0xffff  }
0xd5: {  	v31 =	vadd.s32 $0x7D0, v25;
	v3 =	vld.idx.msk [tilespmem:v23+s3+$0x0], $0xffff  }
0xd6: {  	v8 =	vld.idx.msk [tilespmem:v28+s3+$0x0], $0xffff  }
0xd7: {  	v9 =	vld.idx.msk [tilespmem:v29+s3+$0x0], $0xffff  }
0xd8: {  	v5 =	vld.idx.msk [tilespmem:v25+s3+$0x0], $0xffff  }
0xd9: {  	v10 =	vld.idx.msk [tilespmem:v30+s3+$0x0], $0xffff  }
0xda: {  	v11 =	vld.idx.msk [tilespmem:v31+s3+$0x0], $0xffff;
	[tilespmem:$0x1200] =	vst v0  }
0xdb: {  	[tilespmem:$0x1600] =	vst v2  }
0xdc: {  	[tilespmem:$0x1A00] =	vst v4  }
0xdd: {  	v32 =	vld [tilespmem:$0xE40];
	[tilespmem:$0x1210] =	vst v1  }
0xde: {  	[tilespmem:$0x1610] =	vst v6  }
0xdf: {  	[tilespmem:$0x1A10] =	vst v7  }
0xe0: {  	v33 =	vld [tilespmem:$0xE50];
	[tilespmem:$0x1220] =	vst v3  }
0xe1: {  	[tilespmem:$0x1620] =	vst v8  }
0xe2: {  	v34 =	vadd.s32 $0x3E8, v32;
	[tilespmem:$0x1A20] =	vst v9  }
0xe3: {  	v35 =	vld [tilespmem:$0xE60];
	v36 =	vadd.s32 $0x7D0, v32;
	[tilespmem:$0x1230] =	vst v5  }
0xe4: {  	[tilespmem:$0x1630] =	vst v10  }
0xe5: {  	v37 =	vld [tilespmem:$0xE70];
	v38 =	vadd.s32 $0x3E8, v33;
	[tilespmem:$0x1A30] =	vst v11  }
0xe6: {  	v39 =	vadd.s32 $0x7D0, v33;
	v0 =	vld.idx.msk [tilespmem:v32+s3+$0x0], $0xffff  }
0xe7: {  	v2 =	vld.idx.msk [tilespmem:v34+s3+$0x0], $0xffff  }
0xe8: {  	v40 =	vadd.s32 $0x3E8, v35;
	v4 =	vld.idx.msk [tilespmem:v36+s3+$0x0], $0xffff  }
0xe9: {  	v41 =	vadd.s32 $0x7D0, v35;
	v1 =	vld.idx.msk [tilespmem:v33+s3+$0x0], $0xffff  }
0xea: {  	v6 =	vld.idx.msk [tilespmem:v38+s3+$0x0], $0xffff  }
0xeb: {  	v42 =	vadd.s32 $0x3E8, v37;
	v7 =	vld.idx.msk [tilespmem:v39+s3+$0x0], $0xffff  }
0xec: {  	v43 =	vadd.s32 $0x7D0, v37;
	v3 =	vld.idx.msk [tilespmem:v35+s3+$0x0], $0xffff  }
0xed: {  	v8 =	vld.idx.msk [tilespmem:v40+s3+$0x0], $0xffff  }
0xee: {  	v9 =	vld.idx.msk [tilespmem:v41+s3+$0x0], $0xffff  }
0xef: {  	v5 =	vld.idx.msk [tilespmem:v37+s3+$0x0], $0xffff  }
0xf0: {  	v10 =	vld.idx.msk [tilespmem:v42+s3+$0x0], $0xffff  }
0xf1: {  	v11 =	vld.idx.msk [tilespmem:v43+s3+$0x0], $0xffff;
	[tilespmem:$0x1240] =	vst v0  }
0xf2: {  	[tilespmem:$0x1640] =	vst v2  }
0xf3: {  	[tilespmem:$0x1A40] =	vst v4  }
0xf4: {  	v44 =	vld [tilespmem:$0xE80];
	[tilespmem:$0x1250] =	vst v1  }
0xf5: {  	[tilespmem:$0x1650] =	vst v6  }
0xf6: {  	[tilespmem:$0x1A50] =	vst v7  }
0xf7: {  	v45 =	vld [tilespmem:$0xE90];
	[tilespmem:$0x1260] =	vst v3  }
0xf8: {  	[tilespmem:$0x1660] =	vst v8  }
0xf9: {  	v46 =	vadd.s32 $0x3E8, v44;
	[tilespmem:$0x1A60] =	vst v9  }
0xfa: {  	v47 =	vld [tilespmem:$0xEA0];
	v48 =	vadd.s32 $0x7D0, v44;
	[tilespmem:$0x1270] =	vst v5  }
0xfb: {  	[tilespmem:$0x1670] =	vst v10  }
0xfc: {  	v49 =	vld [tilespmem:$0xEB0];
	v50 =	vadd.s32 $0x3E8, v45;
	[tilespmem:$0x1A70] =	vst v11  }
0xfd: {  	v51 =	vadd.s32 $0x7D0, v45;
	v0 =	vld.idx.msk [tilespmem:v44+s3+$0x0], $0xffff  }
0xfe: {  	v2 =	vld.idx.msk [tilespmem:v46+s3+$0x0], $0xffff  }
0xff: {  	v52 =	vadd.s32 $0x3E8, v47;
	v4 =	vld.idx.msk [tilespmem:v48+s3+$0x0], $0xffff  }
0x100: {  	v53 =	vadd.s32 $0x7D0, v47;
	v1 =	vld.idx.msk [tilespmem:v45+s3+$0x0], $0xffff  }
0x101: {  	v6 =	vld.idx.msk [tilespmem:v50+s3+$0x0], $0xffff  }
0x102: {  	v54 =	vadd.s32 $0x3E8, v49;
	v7 =	vld.idx.msk [tilespmem:v51+s3+$0x0], $0xffff  }
0x103: {  	v55 =	vadd.s32 $0x7D0, v49;
	v3 =	vld.idx.msk [tilespmem:v47+s3+$0x0], $0xffff  }
0x104: {  	v8 =	vld.idx.msk [tilespmem:v52+s3+$0x0], $0xffff  }
0x105: {  	v9 =	vld.idx.msk [tilespmem:v53+s3+$0x0], $0xffff  }
0x106: {  	v5 =	vld.idx.msk [tilespmem:v49+s3+$0x0], $0xffff  }
0x107: {  	v10 =	vld.idx.msk [tilespmem:v54+s3+$0x0], $0xffff  }
0x108: {  	v11 =	vld.idx.msk [tilespmem:v55+s3+$0x0], $0xffff;
	[tilespmem:$0x1280] =	vst v0  }
0x109: {  	[tilespmem:$0x1680] =	vst v2  }
0x10a: {  	[tilespmem:$0x1A80] =	vst v4  }
0x10b: {  	v56 =	vld [tilespmem:$0xEC0];
	[tilespmem:$0x1290] =	vst v1  }
0x10c: {  	[tilespmem:$0x1690] =	vst v6  }
0x10d: {  	[tilespmem:$0x1A90] =	vst v7  }
0x10e: {  	v57 =	vld [tilespmem:$0xED0];
	[tilespmem:$0x12A0] =	vst v3  }
0x10f: {  	[tilespmem:$0x16A0] =	vst v8  }
0x110: {  	v58 =	vadd.s32 $0x3E8, v56;
	[tilespmem:$0x1AA0] =	vst v9  }
0x111: {  	v59 =	vld [tilespmem:$0xEE0];
	v60 =	vadd.s32 $0x7D0, v56;
	[tilespmem:$0x12B0] =	vst v5  }
0x112: {  	[tilespmem:$0x16B0] =	vst v10  }
0x113: {  	v61 =	vld [tilespmem:$0xEF0];
	v62 =	vadd.s32 $0x3E8, v57;
	[tilespmem:$0x1AB0] =	vst v11  }
0x114: {  	v63 =	vadd.s32 $0x7D0, v57;
	v0 =	vld.idx.msk [tilespmem:v56+s3+$0x0], $0xffff  }
0x115: {  	v2 =	vld.idx.msk [tilespmem:v58+s3+$0x0], $0xffff  }
0x116: {  	v12 =	vadd.s32 $0x3E8, v59;
	v4 =	vld.idx.msk [tilespmem:v60+s3+$0x0], $0xffff  }
0x117: {  	v13 =	vadd.s32 $0x7D0, v59;
	v1 =	vld.idx.msk [tilespmem:v57+s3+$0x0], $0xffff  }
0x118: {  	v6 =	vld.idx.msk [tilespmem:v62+s3+$0x0], $0xffff  }
0x119: {  	v14 =	vadd.s32 $0x3E8, v61;
	v7 =	vld.idx.msk [tilespmem:v63+s3+$0x0], $0xffff  }
0x11a: {  	v15 =	vadd.s32 $0x7D0, v61;
	v3 =	vld.idx.msk [tilespmem:v59+s3+$0x0], $0xffff  }
0x11b: {  	v8 =	vld.idx.msk [tilespmem:v12+s3+$0x0], $0xffff  }
0x11c: {  	v9 =	vld.idx.msk [tilespmem:v13+s3+$0x0], $0xffff  }
0x11d: {  	v5 =	vld.idx.msk [tilespmem:v61+s3+$0x0], $0xffff  }
0x11e: {  	v10 =	vld.idx.msk [tilespmem:v14+s3+$0x0], $0xffff  }
0x11f: {  	v11 =	vld.idx.msk [tilespmem:v15+s3+$0x0], $0xffff;
	[tilespmem:$0x12C0] =	vst v0  }
0x120: {  	[tilespmem:$0x16C0] =	vst v2  }
0x121: {  	[tilespmem:$0x1AC0] =	vst v4  }
0x122: {  	v16 =	vld [tilespmem:$0xF00];
	[tilespmem:$0x12D0] =	vst v1  }
0x123: {  	[tilespmem:$0x16D0] =	vst v6  }
0x124: {  	[tilespmem:$0x1AD0] =	vst v7  }
0x125: {  	v17 =	vld [tilespmem:$0xF10];
	[tilespmem:$0x12E0] =	vst v3  }
0x126: {  	[tilespmem:$0x16E0] =	vst v8  }
0x127: {  	v18 =	vadd.s32 $0x3E8, v16;
	[tilespmem:$0x1AE0] =	vst v9  }
0x128: {  	v19 =	vld [tilespmem:$0xF20];
	v20 =	vadd.s32 $0x7D0, v16;
	[tilespmem:$0x12F0] =	vst v5  }
0x129: {  	[tilespmem:$0x16F0] =	vst v10  }
0x12a: {  	v21 =	vld [tilespmem:$0xF30];
	v22 =	vadd.s32 $0x3E8, v17;
	[tilespmem:$0x1AF0] =	vst v11  }
0x12b: {  	v23 =	vadd.s32 $0x7D0, v17;
	v0 =	vld.idx.msk [tilespmem:v16+s3+$0x0], $0xffff  }
0x12c: {  	v2 =	vld.idx.msk [tilespmem:v18+s3+$0x0], $0xffff  }
0x12d: {  	v24 =	vadd.s32 $0x3E8, v19;
	v4 =	vld.idx.msk [tilespmem:v20+s3+$0x0], $0xffff  }
0x12e: {  	v25 =	vadd.s32 $0x7D0, v19;
	v1 =	vld.idx.msk [tilespmem:v17+s3+$0x0], $0xffff  }
0x12f: {  	v6 =	vld.idx.msk [tilespmem:v22+s3+$0x0], $0xffff  }
0x130: {  	v26 =	vadd.s32 $0x3E8, v21;
	v7 =	vld.idx.msk [tilespmem:v23+s3+$0x0], $0xffff  }
0x131: {  	v27 =	vadd.s32 $0x7D0, v21;
	v3 =	vld.idx.msk [tilespmem:v19+s3+$0x0], $0xffff  }
0x132: {  	v8 =	vld.idx.msk [tilespmem:v24+s3+$0x0], $0xffff  }
0x133: {  	v9 =	vld.idx.msk [tilespmem:v25+s3+$0x0], $0xffff  }
0x134: {  	v5 =	vld.idx.msk [tilespmem:v21+s3+$0x0], $0xffff  }
0x135: {  	v10 =	vld.idx.msk [tilespmem:v26+s3+$0x0], $0xffff  }
0x136: {  	v11 =	vld.idx.msk [tilespmem:v27+s3+$0x0], $0xffff;
	[tilespmem:$0x1300] =	vst v0  }
0x137: {  	[tilespmem:$0x1700] =	vst v2  }
0x138: {  	[tilespmem:$0x1B00] =	vst v4  }
0x139: {  	v28 =	vld [tilespmem:$0xF40];
	[tilespmem:$0x1310] =	vst v1  }
0x13a: {  	[tilespmem:$0x1710] =	vst v6  }
0x13b: {  	[tilespmem:$0x1B10] =	vst v7  }
0x13c: {  	v29 =	vld [tilespmem:$0xF50];
	[tilespmem:$0x1320] =	vst v3  }
0x13d: {  	[tilespmem:$0x1720] =	vst v8  }
0x13e: {  	v30 =	vadd.s32 $0x3E8, v28;
	[tilespmem:$0x1B20] =	vst v9  }
0x13f: {  	v31 =	vld [tilespmem:$0xF60];
	v32 =	vadd.s32 $0x7D0, v28;
	[tilespmem:$0x1330] =	vst v5  }
0x140: {  	[tilespmem:$0x1730] =	vst v10  }
0x141: {  	v33 =	vld [tilespmem:$0xF70];
	v34 =	vadd.s32 $0x3E8, v29;
	[tilespmem:$0x1B30] =	vst v11  }
0x142: {  	v35 =	vadd.s32 $0x7D0, v29;
	v0 =	vld.idx.msk [tilespmem:v28+s3+$0x0], $0xffff  }
0x143: {  	v2 =	vld.idx.msk [tilespmem:v30+s3+$0x0], $0xffff  }
0x144: {  	v36 =	vadd.s32 $0x3E8, v31;
	v4 =	vld.idx.msk [tilespmem:v32+s3+$0x0], $0xffff  }
0x145: {  	v37 =	vadd.s32 $0x7D0, v31;
	v1 =	vld.idx.msk [tilespmem:v29+s3+$0x0], $0xffff  }
0x146: {  	v6 =	vld.idx.msk [tilespmem:v34+s3+$0x0], $0xffff  }
0x147: {  	v38 =	vadd.s32 $0x3E8, v33;
	v7 =	vld.idx.msk [tilespmem:v35+s3+$0x0], $0xffff  }
0x148: {  	v39 =	vadd.s32 $0x7D0, v33;
	v3 =	vld.idx.msk [tilespmem:v31+s3+$0x0], $0xffff  }
0x149: {  	v8 =	vld.idx.msk [tilespmem:v36+s3+$0x0], $0xffff  }
0x14a: {  	v9 =	vld.idx.msk [tilespmem:v37+s3+$0x0], $0xffff  }
0x14b: {  	v5 =	vld.idx.msk [tilespmem:v33+s3+$0x0], $0xffff  }
0x14c: {  	v10 =	vld.idx.msk [tilespmem:v38+s3+$0x0], $0xffff  }
0x14d: {  	v11 =	vld.idx.msk [tilespmem:v39+s3+$0x0], $0xffff;
	[tilespmem:$0x1340] =	vst v0  }
0x14e: {  	[tilespmem:$0x1740] =	vst v2  }
0x14f: {  	[tilespmem:$0x1B40] =	vst v4  }
0x150: {  	v40 =	vld [tilespmem:$0xF80];
	[tilespmem:$0x1350] =	vst v1  }
0x151: {  	[tilespmem:$0x1750] =	vst v6  }
0x152: {  	[tilespmem:$0x1B50] =	vst v7  }
0x153: {  	v41 =	vld [tilespmem:$0xF90];
	[tilespmem:$0x1360] =	vst v3  }
0x154: {  	[tilespmem:$0x1760] =	vst v8  }
0x155: {  	v42 =	vadd.s32 $0x3E8, v40;
	[tilespmem:$0x1B60] =	vst v9  }
0x156: {  	v43 =	vld [tilespmem:$0xFA0];
	v44 =	vadd.s32 $0x7D0, v40;
	[tilespmem:$0x1370] =	vst v5  }
0x157: {  	[tilespmem:$0x1770] =	vst v10  }
0x158: {  	v45 =	vld [tilespmem:$0xFB0];
	v46 =	vadd.s32 $0x3E8, v41;
	[tilespmem:$0x1B70] =	vst v11  }
0x159: {  	v47 =	vadd.s32 $0x7D0, v41;
	v0 =	vld.idx.msk [tilespmem:v40+s3+$0x0], $0xffff  }
0x15a: {  	v2 =	vld.idx.msk [tilespmem:v42+s3+$0x0], $0xffff  }
0x15b: {  	v48 =	vadd.s32 $0x3E8, v43;
	v4 =	vld.idx.msk [tilespmem:v44+s3+$0x0], $0xffff  }
0x15c: {  	v49 =	vadd.s32 $0x7D0, v43;
	v1 =	vld.idx.msk [tilespmem:v41+s3+$0x0], $0xffff  }
0x15d: {  	v6 =	vld.idx.msk [tilespmem:v46+s3+$0x0], $0xffff  }
0x15e: {  	v50 =	vadd.s32 $0x3E8, v45;
	v7 =	vld.idx.msk [tilespmem:v47+s3+$0x0], $0xffff  }
0x15f: {  	v51 =	vadd.s32 $0x7D0, v45;
	v3 =	vld.idx.msk [tilespmem:v43+s3+$0x0], $0xffff  }
0x160: {  	v8 =	vld.idx.msk [tilespmem:v48+s3+$0x0], $0xffff  }
0x161: {  	v9 =	vld.idx.msk [tilespmem:v49+s3+$0x0], $0xffff  }
0x162: {  	v5 =	vld.idx.msk [tilespmem:v45+s3+$0x0], $0xffff  }
0x163: {  	v10 =	vld.idx.msk [tilespmem:v50+s3+$0x0], $0xffff  }
0x164: {  	v11 =	vld.idx.msk [tilespmem:v51+s3+$0x0], $0xffff;
	[tilespmem:$0x1380] =	vst v0  }
0x165: {  	[tilespmem:$0x1780] =	vst v2  }
0x166: {  	[tilespmem:$0x1B80] =	vst v4  }
0x167: {  	v52 =	vld [tilespmem:$0xFC0];
	[tilespmem:$0x1390] =	vst v1  }
0x168: {  	[tilespmem:$0x1790] =	vst v6  }
0x169: {  	[tilespmem:$0x1B90] =	vst v7  }
0x16a: {  	v53 =	vld [tilespmem:$0xFD0];
	[tilespmem:$0x13A0] =	vst v3  }
0x16b: {  	[tilespmem:$0x17A0] =	vst v8  }
0x16c: {  	v54 =	vadd.s32 $0x3E8, v52;
	[tilespmem:$0x1BA0] =	vst v9  }
0x16d: {  	v55 =	vld [tilespmem:$0xFE0];
	v56 =	vadd.s32 $0x7D0, v52;
	[tilespmem:$0x13B0] =	vst v5  }
0x16e: {  	[tilespmem:$0x17B0] =	vst v10  }
0x16f: {  	v57 =	vld [tilespmem:$0xFF0];
	v58 =	vadd.s32 $0x3E8, v53;
	[tilespmem:$0x1BB0] =	vst v11  }
0x170: {  	v59 =	vadd.s32 $0x7D0, v53;
	v0 =	vld.idx.msk [tilespmem:v52+s3+$0x0], $0xffff  }
0x171: {  	v2 =	vld.idx.msk [tilespmem:v54+s3+$0x0], $0xffff  }
0x172: {  	v60 =	vadd.s32 $0x3E8, v55;
	v4 =	vld.idx.msk [tilespmem:v56+s3+$0x0], $0xffff  }
0x173: {  	v61 =	vadd.s32 $0x7D0, v55;
	v1 =	vld.idx.msk [tilespmem:v53+s3+$0x0], $0xffff  }
0x174: {  	v6 =	vld.idx.msk [tilespmem:v58+s3+$0x0], $0xffff  }
0x175: {  	v62 =	vadd.s32 $0x3E8, v57;
	v7 =	vld.idx.msk [tilespmem:v59+s3+$0x0], $0xffff  }
0x176: {  	v63 =	vadd.s32 $0x7D0, v57;
	v3 =	vld.idx.msk [tilespmem:v55+s3+$0x0], $0xffff  }
0x177: {  	v8 =	vld.idx.msk [tilespmem:v60+s3+$0x0], $0xffff  }
0x178: {  	v9 =	vld.idx.msk [tilespmem:v61+s3+$0x0], $0xffff  }
0x179: {  	v5 =	vld.idx.msk [tilespmem:v57+s3+$0x0], $0xffff  }
0x17a: {  	v10 =	vld.idx.msk [tilespmem:v62+s3+$0x0], $0xffff  }
0x17b: {  	v11 =	vld.idx.msk [tilespmem:v63+s3+$0x0], $0xffff;
	[tilespmem:$0x13C0] =	vst v0  }
0x17c: {  	[tilespmem:$0x17C0] =	vst v2  }
0x17d: {  	[tilespmem:$0x1BC0] =	vst v4  }
0x17e: {  	[tilespmem:$0x13D0] =	vst v1  }
0x17f: {  	[tilespmem:$0x17D0] =	vst v6  }
0x180: {  	[tilespmem:$0x1BD0] =	vst v7  }
0x181: {  	[tilespmem:$0x13E0] =	vst v3  }
0x182: {  	[tilespmem:$0x17E0] =	vst v8  }
0x183: {  	[tilespmem:$0x1BE0] =	vst v9  }
0x184: {  	[tilespmem:$0x13F0] =	vst v5  }
0x185: {  	[tilespmem:$0x17F0] =	vst v10  }
0x186: {  	s28 =	simm.s32 $0x1000;
	s5 =	sadd.s32 s5, s24;
	[tilespmem:$0x1BF0] =	vst v11  }
0x187: {  	[hbm4b:s5+s3] =	stream.linear.scatter [tilespmem:s28], [sflag:$0x2], $0x400, $0x38;
	[tilespmem:$0x1C00] =	vst v63  }
0x188: {  	s29 =	simm.s32 $0x1400;
	s4 =	sadd.s32 s4, s24  }
0x189: {  	[hbm4b:s4+s3] =	stream.linear.scatter [tilespmem:s29], [sflag:$0x2], $0x400, $0x38;
	[tilespmem:$0x1C00] =	vst v63  }
0x18a: {  	s30 =	simm.s32 $0x1800;
	s31 =	simm.s32 $0x2;
	s2 =	sadd.s32 s2, s24  }
0x18b: {  	[hbm4b:s2+s3] =	stream.linear.scatter [tilespmem:s30], [sflag:$0x2], $0x400, $0x38;
	[tilespmem:$0x1C00] =	vst v63  }
0x18c: {  	_ =	swait.ge [sflag:s31], $0x400  }
0x18d: {  	[sflag:s31] =	ssyncset.done $0x0  }
0x18e: {  	[sflag:s31] =	ssyncadd.s32 $0xFFFFFC00  }
0x18f: {  	_ =	swait.ge [sflag:s31], $0x400  }
0x190: {  	[sflag:s31] =	ssyncset.done $0x0  }
0x191: {  	[sflag:s31] =	ssyncadd.s32 $0xFFFFFC00  }
0x192: {  	_ =	swait.ge [sflag:s31], $0x400  }
0x193: {  	[sflag:s31] =	ssyncset.done $0x0  }
0x194: {  	[sflag:s31] =	ssyncadd.s32 $0xFFFFFC00  }
0x195: {  	_ =	sfence.sel $0x180000  }
0x196: {  	[bflag:$0x0] =	sbarrier.arrive $0xFFFF  }
0x197: {  	p0 =	sne.s32 s1, $0x0;
	_ =	strace $0x90000047  }
0x198: {  	s0 =	sadd.s32 @!p0 $0x100000, s0;
	[bflag:$0x2] =	sbarrier.arrive $0xFFFF  }
0x199: {  	[sflag:s0] =	ssyncadd.tile.s32 @!p0 $0x1;
	_ =	shalt  }
.Lfunc_end2:
_tile_overlayer_lowered:
.L_overlay_start_2:
0x19a: {  	(tag) =	ssettag $0x2  }
0x19b: {  	s0 =	rddreg [dreg:$0x0];
	s2 =	stileid.u32  }
0x19c: {  	s1 =	rddreg [dreg:$0x1];
	p0 =	sne.s32 s2, $0x0  }
0x19d: {  	s3 =	rddreg [dreg:$0x2];
	[bflag:$0x3] =	sbarrier.arrive $0xFFFF;
	s2 =	simm.s32 @!p0 $0x1C03  }
0x19e: {  	[timem:s3], [sflag:s2] =	dma.local @!p0 [hbm:s0], s1  }
0x19f: {  	s0 =	simm.s32 @!p0 $0x3  }
0x1a0: {  	_ =	swait.ge @!p0 [sflag:s0], s1  }
0x1a1: {  	s1 =	ssub.s32 @!p0 $0x0, s1;
	[sflag:s0] =	ssyncset.done @!p0 $0x0  }
0x1a2: {  	[sflag:s0] =	ssyncadd.s32 @!p0 s1  }
0x1a3: {  	[bflag:$0x3] =	sbarrier.arrive $0xFFFF  }
0x1a4: {  	_ =	shalt  }

</sc_bundles>
